<compile_context>
chip_gen: v7x
topology: tpu7x:2x2x1
jax: 0.10.2.dev20260603
libtpu: 0.0.44.dev20260713+nightly
codegen_flags: <defaults>
</compile_context>

<pallas_src>
import functools

import jax
import jax.numpy as jnp
from jax import lax
from jax.experimental import pallas as pl
from jax.experimental.pallas import tpu as pltpu
from jax.experimental.pallas import tpu_sc as plsc

B, N1, N2, D, NS = 2, 2048, 2048, 64, 16
C1, C2 = 128, 128
BLK = 256
BLK2 = 128
NH = 2
N1H = N1 // NH
TOTH = B * N1H * NS
NW = 32
PER_W = TOTH // NW
CH = 128
NCH = PER_W // CH

_HI = jax.lax.Precision.HIGHEST


def _z_kernel(p2_ref, x2_ref, w1b_ref, w1c_ref, z_ref):
    x2 = x2_ref[0]
    w1c = w1c_ref[...]
    zc = (x2[:, 0:1] * w1c[0:1, :] + x2[:, 1:2] * w1c[1:2, :]
          + x2[:, 2:3] * w1c[2:3, :])
    z_ref[0] = jnp.dot(p2_ref[0], w1b_ref[...],
                       preferred_element_type=jnp.float32, precision=_HI) + zc


def _topk_kernel(x1_ref, x2_ref, idx_ref, w_ref):
    b = pl.program_id(0)
    x1 = x1_ref[0]
    x2 = x2_ref[0]
    x1sq = jnp.sum(x1 * x1, axis=1, keepdims=True)
    x2sq = jnp.sum(x2 * x2, axis=0, keepdims=True)
    x1b = x1.astype(jnp.bfloat16).astype(jnp.float32)
    x2b = x2.astype(jnp.bfloat16).astype(jnp.float32)
    cross_sel = (x1b[:, 0:1] * x2b[0:1, :] + x1b[:, 1:2] * x2b[1:2, :]
                 + x1b[:, 2:3] * x2b[2:3, :])
    sqd = (x1sq + x2sq) - 2.0 * cross_sel
    cross_ex = (x1[:, 0:1] * x2[0:1, :] + x1[:, 1:2] * x2[1:2, :]
                + x1[:, 2:3] * x2[2:3, :])
    sqde = (x1sq + x2sq) - 2.0 * cross_ex

    lane = jax.lax.broadcasted_iota(jnp.int32, (BLK, N2), 1)
    si = jax.lax.bitcast_convert_type(sqd, jnp.int32)
    key = si ^ ((si >> 31) & jnp.int32(0x7FFFFFFF))
    key = (key & jnp.int32(~0x7FF)) | lane
    idx_cols = []
    w_cols = []
    for _ in range(NS):
        km = jnp.min(key, axis=1, keepdims=True)
        hit = key == km
        idx = km & 0x7FF
        key = jnp.where(hit, jnp.int32(0x7FFFFFFF), key)
        me = jnp.sum(jnp.where(hit, sqde, 0.0), axis=1, keepdims=True)
        w = 1.0 / jnp.maximum(jnp.sqrt(jnp.maximum(me, 0.0)), 1e-10)
        idx_cols.append(idx + b * N2)
        w_cols.append(w)
    ws = jnp.concatenate(w_cols, axis=1)
    idx_ref[0] = jnp.concatenate(idx_cols, axis=1)
    w_ref[0] = ws / jnp.sum(ws, axis=1, keepdims=True)


def _mlp_kernel(gz_ref, x1_ref, p1_ref, w1a_ref, w1c_ref, b1_ref,
                w2_ref, b2_ref, wn_ref, out_ref):
    x1 = x1_ref[0]
    p1 = p1_ref[0]
    w1c = w1c_ref[...]
    basec = (x1[:, 0:1] * w1c[0:1, :] + x1[:, 1:2] * w1c[1:2, :]
             + x1[:, 2:3] * w1c[2:3, :])
    base = (jnp.dot(p1, w1a_ref[...], preferred_element_type=jnp.float32,
                    precision=_HI) - basec + b1_ref[...])
    base_e = jnp.broadcast_to(base[:, None, :], (BLK2, NS, C1)).reshape(
        BLK2 * NS, C1)
    h1 = gz_ref[0] + base_e
    h1 = jnp.where(h1 >= 0, h1, 0.1 * h1)
    h2 = jnp.dot(h1, w2_ref[...], preferred_element_type=jnp.float32,
                 precision=_HI) + b2_ref[...]
    h2 = jnp.where(h2 >= 0, h2, 0.1 * h2)
    h2 = h2.reshape(BLK2, NS, C2)
    out_ref[0] = jnp.sum(wn_ref[0][:, :, None] * h2, axis=1)


def _sc_gather(table, idx3):
    mesh = plsc.VectorSubcoreMesh(core_axis_name="c", subcore_axis_name="s")

    @functools.partial(
        pl.kernel, mesh=mesh,
        out_type=jax.ShapeDtypeStruct((TOTH, C1), jnp.float32),
        scratch_types=[
            pltpu.VMEM((NCH, CH), jnp.int32),
            pltpu.VMEM((CH, C1), jnp.float32),
            pltpu.VMEM((CH, C1), jnp.float32),
            pltpu.SemaphoreType.DMA,
            pltpu.SemaphoreType.DMA,
        ],
    )
    def k(table_hbm, idx_hbm, out_hbm, idx_v, rows_a, rows_b, sem_a, sem_b):
        wid = lax.axis_index("s") * 2 + lax.axis_index("c")
        base = wid * PER_W
        pltpu.sync_copy(idx_hbm.at[wid], idx_v)
        bufs = (rows_a, rows_b)
        sems = (sem_a, sem_b)
        cps = [None, None]
        for c in range(NCH + 1):
            if c < NCH:
                cps[c % 2] = pltpu.async_copy(table_hbm.at[idx_v.at[c]],
                                              bufs[c % 2], sems[c % 2])
            if c >= 1:
                cps[(c - 1) % 2].wait()
                pltpu.sync_copy(bufs[(c - 1) % 2],
                                out_hbm.at[pl.ds(base + (c - 1) * CH, CH)])

    return k(table, idx3)


def _half(z2d, xyz2, x1t_h, p1t_h, w1a, w1c, b1r, w2t, b2r):
    knn_idx, wn = pl.pallas_call(
        _topk_kernel,
        grid=(B, N1H // BLK),
        in_specs=[
            pl.BlockSpec((1, BLK, 3), lambda b, i: (b, i, 0)),
            pl.BlockSpec((1, 3, N2), lambda b, i: (b, 0, 0)),
        ],
        out_specs=(
            pl.BlockSpec((1, BLK, NS), lambda b, i: (b, i, 0)),
            pl.BlockSpec((1, BLK, NS), lambda b, i: (b, i, 0)),
        ),
        out_shape=(
            jax.ShapeDtypeStruct((B, N1H, NS), jnp.int32),
            jax.ShapeDtypeStruct((B, N1H, NS), jnp.float32),
        ),
    )(x1t_h, xyz2)

    gz = _sc_gather(z2d, knn_idx.reshape(NW, NCH, CH))

    return pl.pallas_call(
        _mlp_kernel,
        grid=(B, N1H // BLK2),
        in_specs=[
            pl.BlockSpec((1, BLK2 * NS, C1), lambda b, i: (b, i, 0)),
            pl.BlockSpec((1, BLK2, 3), lambda b, i: (b, i, 0)),
            pl.BlockSpec((1, BLK2, D), lambda b, i: (b, i, 0)),
            pl.BlockSpec((D, C1), lambda b, i: (0, 0)),
            pl.BlockSpec((3, C1), lambda b, i: (0, 0)),
            pl.BlockSpec((1, C1), lambda b, i: (0, 0)),
            pl.BlockSpec((C1, C2), lambda b, i: (0, 0)),
            pl.BlockSpec((1, C2), lambda b, i: (0, 0)),
            pl.BlockSpec((1, BLK2, NS), lambda b, i: (b, i, 0)),
        ],
        out_specs=pl.BlockSpec((1, BLK2, C2), lambda b, i: (b, i, 0)),
        out_shape=jax.ShapeDtypeStruct((B, N1H, C2), jnp.float32),
    )(gz.reshape(B, N1H * NS, C1), x1t_h, p1t_h, w1a, w1c, b1r, w2t, b2r, wn)


@jax.jit
def kernel(xyz1, xyz2, points1, points2, W1, b1, W2, b2):
    x1t = jnp.transpose(xyz1, (0, 2, 1))
    x2t = jnp.transpose(xyz2, (0, 2, 1))
    p1t = jnp.transpose(points1, (0, 2, 1))
    p2t = jnp.transpose(points2, (0, 2, 1))
    w1a = W1[:, :D].T
    w1b = W1[:, D:2 * D].T
    w1c = W1[:, 2 * D:].T
    w2t = W2.T
    b1r = b1.reshape(1, C1)
    b2r = b2.reshape(1, C2)

    z = pl.pallas_call(
        _z_kernel,
        grid=(B,),
        in_specs=[
            pl.BlockSpec((1, N2, D), lambda b: (b, 0, 0)),
            pl.BlockSpec((1, N2, 3), lambda b: (b, 0, 0)),
            pl.BlockSpec((D, C1), lambda b: (0, 0)),
            pl.BlockSpec((3, C1), lambda b: (0, 0)),
        ],
        out_specs=pl.BlockSpec((1, N2, C1), lambda b: (b, 0, 0)),
        out_shape=jax.ShapeDtypeStruct((B, N2, C1), jnp.float32),
    )(p2t, x2t, w1b, w1c)
    z2d = z.reshape(B * N2, C1)

    outs = [
        _half(z2d, xyz2, x1t[:, h * N1H:(h + 1) * N1H],
              p1t[:, h * N1H:(h + 1) * N1H], w1a, w1c, b1r, w2t, b2r)
        for h in range(NH)
    ]
    out = jnp.concatenate(outs, axis=1)
    return jnp.transpose(out, (0, 2, 1))

# --- scband reference (transcript-rebuilt; emitter-appended) ---
"""Pipeline reference for scband-point-conv-flow-70437463654602 (READ-ONLY COPY).

The authoritative reference and input builder live on the scoring server;
editing this copy changes nothing except your own understanding.
"""

import jax, jax.numpy as jnp
import numpy as np

B, N1, N2, D, NS = 2, 2048, 2048, 64, 16
CIN = 2 * D + 3  # 131
C1, C2 = 128, 128


def setup_inputs(seed: int = 0) -> dict:
    key = jax.random.key(seed)
    ks = jax.random.split(key, 8)
    xyz1 = jax.random.normal(ks[0], (B, 3, N1), dtype=jnp.float32)
    xyz2 = jax.random.normal(ks[1], (B, 3, N2), dtype=jnp.float32)
    points1 = jax.random.normal(ks[2], (B, D, N1), dtype=jnp.float32)
    points2 = jax.random.normal(ks[3], (B, D, N2), dtype=jnp.float32)
    W1 = jax.random.normal(ks[4], (C1, CIN), dtype=jnp.float32) * 0.05
    b1 = jax.random.normal(ks[5], (C1,), dtype=jnp.float32) * 0.05
    W2 = jax.random.normal(ks[6], (C2, C1), dtype=jnp.float32) * 0.05
    b2 = jax.random.normal(ks[7], (C2,), dtype=jnp.float32) * 0.05
    return {"xyz1": xyz1, "xyz2": xyz2, "points1": points1, "points2": points2,
            "W1": W1, "b1": b1, "W2": W2, "b2": b2}


def _gather(p, i):
    # p: [N2, C], i: [N1, K] -> [N1, K, C]
    return p[i]


def reference(xyz1, xyz2, points1, points2, W1, b1, W2, b2):
    x1 = jnp.transpose(xyz1, (0, 2, 1))      # [B, N1, 3]
    x2 = jnp.transpose(xyz2, (0, 2, 1))      # [B, N2, 3]
    p1 = jnp.transpose(points1, (0, 2, 1))   # [B, N1, D]
    p2 = jnp.transpose(points2, (0, 2, 1))   # [B, N2, D]

    # knn_point: squared distances (same ordering as torch.cdist) + top-k smallest
    sqd = (jnp.sum(x1 ** 2, axis=-1)[:, :, None]
           + jnp.sum(x2 ** 2, axis=-1)[:, None, :]
           - 2.0 * jnp.einsum('bnc,bmc->bnm', x1, x2))  # [B, N1, N2]
    _, knn_idx = jax.lax.top_k(-sqd, NS)  # [B, N1, NS], smallest distances

    neighbor_xyz = jax.vmap(_gather)(x2, knn_idx)       # [B, N1, NS, 3]
    direction_xyz = neighbor_xyz - x1[:, :, None, :]    # [B, N1, NS, 3]
    grouped_points2 = jax.vmap(_gather)(p2, knn_idx)    # [B, N1, NS, D]
    grouped_points1 = jnp.broadcast_to(p1[:, :, None, :], (B, N1, NS, D))

    new_points = jnp.concatenate([grouped_points1, grouped_points2, direction_xyz], axis=-1)  # [B, N1, NS, CIN]

    # 1x1 Conv2d stack == per-point MLP, LeakyReLU(0.1)
    h = jax.nn.leaky_relu(new_points @ W1.T + b1, negative_slope=0.1)
    h = jax.nn.leaky_relu(h @ W2.T + b2, negative_slope=0.1)       # [B, N1, NS, C2]

    dist = jnp.clip(jnp.linalg.norm(direction_xyz, axis=3), 1e-10, None)  # [B, N1, NS]
    norm = jnp.sum(1.0 / dist, axis=2, keepdims=True)                     # [B, N1, 1]
    weights = 1.0 / dist / norm                                           # [B, N1, NS]
    cost = jnp.sum(weights[..., None] * h, axis=2)                        # [B, N1, C2]
    return jnp.transpose(cost, (0, 2, 1))                                 # [B, C2, N1]

if __name__ == "__main__":
    import jax
    _d = setup_inputs()
    print(jax.jit(kernel)(*tuple(_d.values())))

</pallas_src>

<mosaic_0001>
#map = affine_map<(d0, d1) -> (0, 0)>
#map1 = affine_map<(d0, d1) -> (0, 0, 0)>
module attributes {stable_mosaic.version = 14 : i64} {
  func.func @k(%arg0: i32, %arg1: i32, %arg2: memref<4096x128xf32, #tpu.memory_space<hbm>>, %arg3: memref<32x8x128xi32, #tpu.memory_space<hbm>>, %arg4: memref<32768x128xf32, #tpu.memory_space<hbm>>, %arg5: memref<8x128xi32, #tpu.memory_space<vmem>>, %arg6: memref<128x128xf32, #tpu.memory_space<vmem>>, %arg7: memref<128x128xf32, #tpu.memory_space<vmem>>, %arg8: memref<!tpu.dma_semaphore, #tpu.memory_space<semaphore_mem>>, %arg9: memref<!tpu.dma_semaphore, #tpu.memory_space<semaphore_mem>>) attributes {dimension_semantics = [#tpu.dimension_semantics<core_parallel>, #tpu.dimension_semantics<subcore_parallel>], iteration_bounds = array<i64: 2, 16>, scalar_prefetch = 0 : i64, scratch_operands = 5 : i64, tpu.core_type = #tpu.core_type<sc_vector_subcore>, window_params = [{transform_indices = #map}, {transform_indices = #map1}, {transform_indices = #map}]} {
    %mul3A = arith.constant 2 : i32
    %mul3A_0 = arith.muli %arg1, %mul3A : i32
    %add3A = arith.addi %mul3A_0, %arg0 : i32
    %mul3A_1 = arith.constant 1024 : i32
    %mul3A_2 = arith.muli %add3A, %mul3A_1 : i32
    "tpu.region"() ({
      %run_scoped3A = tpu.sem_alloc : memref<!tpu.dma_semaphore, #tpu.memory_space<semaphore_mem>>
      %dma_start3A_129 = arith.constant 0 : i32
      %dma_start3A_130 = arith.constant 0 : i32
      %dma_start3A_131 = tpu.memref_slice %arg3[%add3A, %dma_start3A_129, %dma_start3A_130] : memref<32x8x128xi32, #tpu.memory_space<hbm>> -> memref<1x8x128xi32, #tpu.memory_space<hbm>>
      %dma_start3A_132 = tpu.memref_squeeze %dma_start3A_131 : memref<1x8x128xi32, #tpu.memory_space<hbm>> -> memref<8x128xi32, #tpu.memory_space<hbm>>
      %dma_start3A_133 = arith.constant 0 : i32
      %dma_start3A_134 = arith.constant 0 : i32
      %dma_start3A_135 = tpu.memref_slice %arg3[%add3A, %dma_start3A_133, %dma_start3A_134] : memref<32x8x128xi32, #tpu.memory_space<hbm>> -> memref<1x8x128xi32, #tpu.memory_space<hbm>>
      %dma_start3A_136 = tpu.memref_squeeze %dma_start3A_135 : memref<1x8x128xi32, #tpu.memory_space<hbm>> -> memref<8x128xi32, #tpu.memory_space<hbm>>
      tpu.enqueue_dma source(%dma_start3A_136 : memref<8x128xi32, #tpu.memory_space<hbm>>) target(%arg5 : memref<8x128xi32, #tpu.memory_space<vmem>>) target_semaphore(%run_scoped3A : memref<!tpu.dma_semaphore, #tpu.memory_space<semaphore_mem>>)
      %dma_wait3A_137 = arith.constant 0 : i32
      %dma_wait3A_138 = arith.constant 0 : i32
      %dma_wait3A_139 = tpu.memref_slice %arg3[%add3A, %dma_wait3A_137, %dma_wait3A_138] : memref<32x8x128xi32, #tpu.memory_space<hbm>> -> memref<1x8x128xi32, #tpu.memory_space<hbm>>
      %dma_wait3A_140 = tpu.memref_squeeze %dma_wait3A_139 : memref<1x8x128xi32, #tpu.memory_space<hbm>> -> memref<8x128xi32, #tpu.memory_space<hbm>>
      %dma_wait3A_141 = arith.constant 0 : i32
      %dma_wait3A_142 = arith.constant 0 : i32
      %dma_wait3A_143 = tpu.memref_slice %arg3[%add3A, %dma_wait3A_141, %dma_wait3A_142] : memref<32x8x128xi32, #tpu.memory_space<hbm>> -> memref<1x8x128xi32, #tpu.memory_space<hbm>>
      %dma_wait3A_144 = tpu.memref_squeeze %dma_wait3A_143 : memref<1x8x128xi32, #tpu.memory_space<hbm>> -> memref<8x128xi32, #tpu.memory_space<hbm>>
      tpu.wait_dma2 semaphore(%run_scoped3A : memref<!tpu.dma_semaphore, #tpu.memory_space<semaphore_mem>>) src(%dma_wait3A_144 : memref<8x128xi32, #tpu.memory_space<hbm>>) dst(%arg5 : memref<8x128xi32, #tpu.memory_space<vmem>>)
      tpu.yield
    }) : () -> ()
    %dma_start3A = arith.constant 0 : i32
    %dma_start3A_3 = arith.constant 0 : i32
    %dma_start3A_4 = tpu.memref_slice %arg5[%dma_start3A, %dma_start3A_3] : memref<8x128xi32, #tpu.memory_space<vmem>> -> memref<1x128xi32, #tpu.memory_space<vmem>>
    %dma_start3A_5 = tpu.memref_squeeze %dma_start3A_4 : memref<1x128xi32, #tpu.memory_space<vmem>> -> memref<128xi32, #tpu.memory_space<vmem>>
    %dma_start3A_6 = arith.constant 0 : i32
    %dma_start3A_7 = arith.constant 0 : i32
    %dma_start3A_8 = tpu.memref_slice %arg2[%dma_start3A_6, %dma_start3A_7] : memref<4096x128xf32, #tpu.memory_space<hbm>> -> memref<4096x128xf32, #tpu.memory_space<hbm>>
    tpu.enqueue_indirect_dma source(%dma_start3A_8 : memref<4096x128xf32, #tpu.memory_space<hbm>>) target(%arg6 : memref<128x128xf32, #tpu.memory_space<vmem>>) offsets(%dma_start3A_5 : memref<128xi32, #tpu.memory_space<vmem>>) semaphore(%arg8 : memref<!tpu.dma_semaphore, #tpu.memory_space<semaphore_mem>>)
    %dma_start3A_9 = arith.constant 1 : i32
    %dma_start3A_10 = arith.constant 0 : i32
    %dma_start3A_11 = tpu.memref_slice %arg5[%dma_start3A_9, %dma_start3A_10] : memref<8x128xi32, #tpu.memory_space<vmem>> -> memref<1x128xi32, #tpu.memory_space<vmem>>
    %dma_start3A_12 = tpu.memref_squeeze %dma_start3A_11 : memref<1x128xi32, #tpu.memory_space<vmem>> -> memref<128xi32, #tpu.memory_space<vmem>>
    %dma_start3A_13 = arith.constant 0 : i32
    %dma_start3A_14 = arith.constant 0 : i32
    %dma_start3A_15 = tpu.memref_slice %arg2[%dma_start3A_13, %dma_start3A_14] : memref<4096x128xf32, #tpu.memory_space<hbm>> -> memref<4096x128xf32, #tpu.memory_space<hbm>>
    tpu.enqueue_indirect_dma source(%dma_start3A_15 : memref<4096x128xf32, #tpu.memory_space<hbm>>) target(%arg7 : memref<128x128xf32, #tpu.memory_space<vmem>>) offsets(%dma_start3A_12 : memref<128xi32, #tpu.memory_space<vmem>>) semaphore(%arg9 : memref<!tpu.dma_semaphore, #tpu.memory_space<semaphore_mem>>)
    %dma_wait3A = arith.constant 0 : i32
    %dma_wait3A_16 = arith.constant 0 : i32
    %dma_wait3A_17 = tpu.memref_slice %arg5[%dma_wait3A, %dma_wait3A_16] : memref<8x128xi32, #tpu.memory_space<vmem>> -> memref<1x128xi32, #tpu.memory_space<vmem>>
    %dma_wait3A_18 = tpu.memref_squeeze %dma_wait3A_17 : memref<1x128xi32, #tpu.memory_space<vmem>> -> memref<128xi32, #tpu.memory_space<vmem>>
    %dma_wait3A_19 = arith.constant 0 : i32
    %dma_wait3A_20 = arith.constant 0 : i32
    %dma_wait3A_21 = tpu.memref_slice %arg2[%dma_wait3A_19, %dma_wait3A_20] : memref<4096x128xf32, #tpu.memory_space<hbm>> -> memref<4096x128xf32, #tpu.memory_space<hbm>>
    tpu.wait_indirect_dma semaphore(%arg8 : memref<!tpu.dma_semaphore, #tpu.memory_space<semaphore_mem>>) src(%dma_wait3A_21 : memref<4096x128xf32, #tpu.memory_space<hbm>>) dst(%arg6 : memref<128x128xf32, #tpu.memory_space<vmem>>)
    %add3A_22 = arith.constant 0 : i32
    %add3A_23 = arith.addi %mul3A_2, %add3A_22 : i32
    "tpu.region"() ({
      %run_scoped3A = tpu.sem_alloc : memref<!tpu.dma_semaphore, #tpu.memory_space<semaphore_mem>>
      %dma_start3A_129 = arith.constant 0 : i32
      %dma_start3A_130 = tpu.memref_slice %arg4[%add3A_23, %dma_start3A_129] : memref<32768x128xf32, #tpu.memory_space<hbm>> -> memref<128x128xf32, #tpu.memory_space<hbm>>
      %dma_start3A_131 = arith.constant 0 : i32
      %dma_start3A_132 = tpu.memref_slice %arg4[%add3A_23, %dma_start3A_131] : memref<32768x128xf32, #tpu.memory_space<hbm>> -> memref<128x128xf32, #tpu.memory_space<hbm>>
      tpu.enqueue_dma source(%arg6 : memref<128x128xf32, #tpu.memory_space<vmem>>) target(%dma_start3A_132 : memref<128x128xf32, #tpu.memory_space<hbm>>) target_semaphore(%run_scoped3A : memref<!tpu.dma_semaphore, #tpu.memory_space<semaphore_mem>>)
      %dma_wait3A_133 = arith.constant 0 : i32
      %dma_wait3A_134 = tpu.memref_slice %arg4[%add3A_23, %dma_wait3A_133] : memref<32768x128xf32, #tpu.memory_space<hbm>> -> memref<128x128xf32, #tpu.memory_space<hbm>>
      %dma_wait3A_135 = arith.constant 0 : i32
      %dma_wait3A_136 = tpu.memref_slice %arg4[%add3A_23, %dma_wait3A_135] : memref<32768x128xf32, #tpu.memory_space<hbm>> -> memref<128x128xf32, #tpu.memory_space<hbm>>
      tpu.wait_dma2 semaphore(%run_scoped3A : memref<!tpu.dma_semaphore, #tpu.memory_space<semaphore_mem>>) src(%arg6 : memref<128x128xf32, #tpu.memory_space<vmem>>) dst(%dma_wait3A_136 : memref<128x128xf32, #tpu.memory_space<hbm>>)
      tpu.yield
    }) : () -> ()
    %dma_start3A_24 = arith.constant 2 : i32
    %dma_start3A_25 = arith.constant 0 : i32
    %dma_start3A_26 = tpu.memref_slice %arg5[%dma_start3A_24, %dma_start3A_25] : memref<8x128xi32, #tpu.memory_space<vmem>> -> memref<1x128xi32, #tpu.memory_space<vmem>>
    %dma_start3A_27 = tpu.memref_squeeze %dma_start3A_26 : memref<1x128xi32, #tpu.memory_space<vmem>> -> memref<128xi32, #tpu.memory_space<vmem>>
    %dma_start3A_28 = arith.constant 0 : i32
    %dma_start3A_29 = arith.constant 0 : i32
    %dma_start3A_30 = tpu.memref_slice %arg2[%dma_start3A_28, %dma_start3A_29] : memref<4096x128xf32, #tpu.memory_space<hbm>> -> memref<4096x128xf32, #tpu.memory_space<hbm>>
    tpu.enqueue_indirect_dma source(%dma_start3A_30 : memref<4096x128xf32, #tpu.memory_space<hbm>>) target(%arg6 : memref<128x128xf32, #tpu.memory_space<vmem>>) offsets(%dma_start3A_27 : memref<128xi32, #tpu.memory_space<vmem>>) semaphore(%arg8 : memref<!tpu.dma_semaphore, #tpu.memory_space<semaphore_mem>>)
    %dma_wait3A_31 = arith.constant 1 : i32
    %dma_wait3A_32 = arith.constant 0 : i32
    %dma_wait3A_33 = tpu.memref_slice %arg5[%dma_wait3A_31, %dma_wait3A_32] : memref<8x128xi32, #tpu.memory_space<vmem>> -> memref<1x128xi32, #tpu.memory_space<vmem>>
    %dma_wait3A_34 = tpu.memref_squeeze %dma_wait3A_33 : memref<1x128xi32, #tpu.memory_space<vmem>> -> memref<128xi32, #tpu.memory_space<vmem>>
    %dma_wait3A_35 = arith.constant 0 : i32
    %dma_wait3A_36 = arith.constant 0 : i32
    %dma_wait3A_37 = tpu.memref_slice %arg2[%dma_wait3A_35, %dma_wait3A_36] : memref<4096x128xf32, #tpu.memory_space<hbm>> -> memref<4096x128xf32, #tpu.memory_space<hbm>>
    tpu.wait_indirect_dma semaphore(%arg9 : memref<!tpu.dma_semaphore, #tpu.memory_space<semaphore_mem>>) src(%dma_wait3A_37 : memref<4096x128xf32, #tpu.memory_space<hbm>>) dst(%arg7 : memref<128x128xf32, #tpu.memory_space<vmem>>)
    %add3A_38 = arith.constant 128 : i32
    %add3A_39 = arith.addi %mul3A_2, %add3A_38 : i32
    "tpu.region"() ({
      %run_scoped3A = tpu.sem_alloc : memref<!tpu.dma_semaphore, #tpu.memory_space<semaphore_mem>>
      %dma_start3A_129 = arith.constant 0 : i32
      %dma_start3A_130 = tpu.memref_slice %arg4[%add3A_39, %dma_start3A_129] : memref<32768x128xf32, #tpu.memory_space<hbm>> -> memref<128x128xf32, #tpu.memory_space<hbm>>
      %dma_start3A_131 = arith.constant 0 : i32
      %dma_start3A_132 = tpu.memref_slice %arg4[%add3A_39, %dma_start3A_131] : memref<32768x128xf32, #tpu.memory_space<hbm>> -> memref<128x128xf32, #tpu.memory_space<hbm>>
      tpu.enqueue_dma source(%arg7 : memref<128x128xf32, #tpu.memory_space<vmem>>) target(%dma_start3A_132 : memref<128x128xf32, #tpu.memory_space<hbm>>) target_semaphore(%run_scoped3A : memref<!tpu.dma_semaphore, #tpu.memory_space<semaphore_mem>>)
      %dma_wait3A_133 = arith.constant 0 : i32
      %dma_wait3A_134 = tpu.memref_slice %arg4[%add3A_39, %dma_wait3A_133] : memref<32768x128xf32, #tpu.memory_space<hbm>> -> memref<128x128xf32, #tpu.memory_space<hbm>>
      %dma_wait3A_135 = arith.constant 0 : i32
      %dma_wait3A_136 = tpu.memref_slice %arg4[%add3A_39, %dma_wait3A_135] : memref<32768x128xf32, #tpu.memory_space<hbm>> -> memref<128x128xf32, #tpu.memory_space<hbm>>
      tpu.wait_dma2 semaphore(%run_scoped3A : memref<!tpu.dma_semaphore, #tpu.memory_space<semaphore_mem>>) src(%arg7 : memref<128x128xf32, #tpu.memory_space<vmem>>) dst(%dma_wait3A_136 : memref<128x128xf32, #tpu.memory_space<hbm>>)
      tpu.yield
    }) : () -> ()
    %dma_start3A_40 = arith.constant 3 : i32
    %dma_start3A_41 = arith.constant 0 : i32
    %dma_start3A_42 = tpu.memref_slice %arg5[%dma_start3A_40, %dma_start3A_41] : memref<8x128xi32, #tpu.memory_space<vmem>> -> memref<1x128xi32, #tpu.memory_space<vmem>>
    %dma_start3A_43 = tpu.memref_squeeze %dma_start3A_42 : memref<1x128xi32, #tpu.memory_space<vmem>> -> memref<128xi32, #tpu.memory_space<vmem>>
    %dma_start3A_44 = arith.constant 0 : i32
    %dma_start3A_45 = arith.constant 0 : i32
    %dma_start3A_46 = tpu.memref_slice %arg2[%dma_start3A_44, %dma_start3A_45] : memref<4096x128xf32, #tpu.memory_space<hbm>> -> memref<4096x128xf32, #tpu.memory_space<hbm>>
    tpu.enqueue_indirect_dma source(%dma_start3A_46 : memref<4096x128xf32, #tpu.memory_space<hbm>>) target(%arg7 : memref<128x128xf32, #tpu.memory_space<vmem>>) offsets(%dma_start3A_43 : memref<128xi32, #tpu.memory_space<vmem>>) semaphore(%arg9 : memref<!tpu.dma_semaphore, #tpu.memory_space<semaphore_mem>>)
    %dma_wait3A_47 = arith.constant 2 : i32
    %dma_wait3A_48 = arith.constant 0 : i32
    %dma_wait3A_49 = tpu.memref_slice %arg5[%dma_wait3A_47, %dma_wait3A_48] : memref<8x128xi32, #tpu.memory_space<vmem>> -> memref<1x128xi32, #tpu.memory_space<vmem>>
    %dma_wait3A_50 = tpu.memref_squeeze %dma_wait3A_49 : memref<1x128xi32, #tpu.memory_space<vmem>> -> memref<128xi32, #tpu.memory_space<vmem>>
    %dma_wait3A_51 = arith.constant 0 : i32
    %dma_wait3A_52 = arith.constant 0 : i32
    %dma_wait3A_53 = tpu.memref_slice %arg2[%dma_wait3A_51, %dma_wait3A_52] : memref<4096x128xf32, #tpu.memory_space<hbm>> -> memref<4096x128xf32, #tpu.memory_space<hbm>>
    tpu.wait_indirect_dma semaphore(%arg8 : memref<!tpu.dma_semaphore, #tpu.memory_space<semaphore_mem>>) src(%dma_wait3A_53 : memref<4096x128xf32, #tpu.memory_space<hbm>>) dst(%arg6 : memref<128x128xf32, #tpu.memory_space<vmem>>)
    %add3A_54 = arith.constant 256 : i32
    %add3A_55 = arith.addi %mul3A_2, %add3A_54 : i32
    "tpu.region"() ({
      %run_scoped3A = tpu.sem_alloc : memref<!tpu.dma_semaphore, #tpu.memory_space<semaphore_mem>>
      %dma_start3A_129 = arith.constant 0 : i32
      %dma_start3A_130 = tpu.memref_slice %arg4[%add3A_55, %dma_start3A_129] : memref<32768x128xf32, #tpu.memory_space<hbm>> -> memref<128x128xf32, #tpu.memory_space<hbm>>
      %dma_start3A_131 = arith.constant 0 : i32
      %dma_start3A_132 = tpu.memref_slice %arg4[%add3A_55, %dma_start3A_131] : memref<32768x128xf32, #tpu.memory_space<hbm>> -> memref<128x128xf32, #tpu.memory_space<hbm>>
      tpu.enqueue_dma source(%arg6 : memref<128x128xf32, #tpu.memory_space<vmem>>) target(%dma_start3A_132 : memref<128x128xf32, #tpu.memory_space<hbm>>) target_semaphore(%run_scoped3A : memref<!tpu.dma_semaphore, #tpu.memory_space<semaphore_mem>>)
      %dma_wait3A_133 = arith.constant 0 : i32
      %dma_wait3A_134 = tpu.memref_slice %arg4[%add3A_55, %dma_wait3A_133] : memref<32768x128xf32, #tpu.memory_space<hbm>> -> memref<128x128xf32, #tpu.memory_space<hbm>>
      %dma_wait3A_135 = arith.constant 0 : i32
      %dma_wait3A_136 = tpu.memref_slice %arg4[%add3A_55, %dma_wait3A_135] : memref<32768x128xf32, #tpu.memory_space<hbm>> -> memref<128x128xf32, #tpu.memory_space<hbm>>
      tpu.wait_dma2 semaphore(%run_scoped3A : memref<!tpu.dma_semaphore, #tpu.memory_space<semaphore_mem>>) src(%arg6 : memref<128x128xf32, #tpu.memory_space<vmem>>) dst(%dma_wait3A_136 : memref<128x128xf32, #tpu.memory_space<hbm>>)
      tpu.yield
    }) : () -> ()
    %dma_start3A_56 = arith.constant 4 : i32
    %dma_start3A_57 = arith.constant 0 : i32
    %dma_start3A_58 = tpu.memref_slice %arg5[%dma_start3A_56, %dma_start3A_57] : memref<8x128xi32, #tpu.memory_space<vmem>> -> memref<1x128xi32, #tpu.memory_space<vmem>>
    %dma_start3A_59 = tpu.memref_squeeze %dma_start3A_58 : memref<1x128xi32, #tpu.memory_space<vmem>> -> memref<128xi32, #tpu.memory_space<vmem>>
    %dma_start3A_60 = arith.constant 0 : i32
    %dma_start3A_61 = arith.constant 0 : i32
    %dma_start3A_62 = tpu.memref_slice %arg2[%dma_start3A_60, %dma_start3A_61] : memref<4096x128xf32, #tpu.memory_space<hbm>> -> memref<4096x128xf32, #tpu.memory_space<hbm>>
    tpu.enqueue_indirect_dma source(%dma_start3A_62 : memref<4096x128xf32, #tpu.memory_space<hbm>>) target(%arg6 : memref<128x128xf32, #tpu.memory_space<vmem>>) offsets(%dma_start3A_59 : memref<128xi32, #tpu.memory_space<vmem>>) semaphore(%arg8 : memref<!tpu.dma_semaphore, #tpu.memory_space<semaphore_mem>>)
    %dma_wait3A_63 = arith.constant 3 : i32
    %dma_wait3A_64 = arith.constant 0 : i32
    %dma_wait3A_65 = tpu.memref_slice %arg5[%dma_wait3A_63, %dma_wait3A_64] : memref<8x128xi32, #tpu.memory_space<vmem>> -> memref<1x128xi32, #tpu.memory_space<vmem>>
    %dma_wait3A_66 = tpu.memref_squeeze %dma_wait3A_65 : memref<1x128xi32, #tpu.memory_space<vmem>> -> memref<128xi32, #tpu.memory_space<vmem>>
    %dma_wait3A_67 = arith.constant 0 : i32
    %dma_wait3A_68 = arith.constant 0 : i32
    %dma_wait3A_69 = tpu.memref_slice %arg2[%dma_wait3A_67, %dma_wait3A_68] : memref<4096x128xf32, #tpu.memory_space<hbm>> -> memref<4096x128xf32, #tpu.memory_space<hbm>>
    tpu.wait_indirect_dma semaphore(%arg9 : memref<!tpu.dma_semaphore, #tpu.memory_space<semaphore_mem>>) src(%dma_wait3A_69 : memref<4096x128xf32, #tpu.memory_space<hbm>>) dst(%arg7 : memref<128x128xf32, #tpu.memory_space<vmem>>)
    %add3A_70 = arith.constant 384 : i32
    %add3A_71 = arith.addi %mul3A_2, %add3A_70 : i32
    "tpu.region"() ({
      %run_scoped3A = tpu.sem_alloc : memref<!tpu.dma_semaphore, #tpu.memory_space<semaphore_mem>>
      %dma_start3A_129 = arith.constant 0 : i32
      %dma_start3A_130 = tpu.memref_slice %arg4[%add3A_71, %dma_start3A_129] : memref<32768x128xf32, #tpu.memory_space<hbm>> -> memref<128x128xf32, #tpu.memory_space<hbm>>
      %dma_start3A_131 = arith.constant 0 : i32
      %dma_start3A_132 = tpu.memref_slice %arg4[%add3A_71, %dma_start3A_131] : memref<32768x128xf32, #tpu.memory_space<hbm>> -> memref<128x128xf32, #tpu.memory_space<hbm>>
      tpu.enqueue_dma source(%arg7 : memref<128x128xf32, #tpu.memory_space<vmem>>) target(%dma_start3A_132 : memref<128x128xf32, #tpu.memory_space<hbm>>) target_semaphore(%run_scoped3A : memref<!tpu.dma_semaphore, #tpu.memory_space<semaphore_mem>>)
      %dma_wait3A_133 = arith.constant 0 : i32
      %dma_wait3A_134 = tpu.memref_slice %arg4[%add3A_71, %dma_wait3A_133] : memref<32768x128xf32, #tpu.memory_space<hbm>> -> memref<128x128xf32, #tpu.memory_space<hbm>>
      %dma_wait3A_135 = arith.constant 0 : i32
      %dma_wait3A_136 = tpu.memref_slice %arg4[%add3A_71, %dma_wait3A_135] : memref<32768x128xf32, #tpu.memory_space<hbm>> -> memref<128x128xf32, #tpu.memory_space<hbm>>
      tpu.wait_dma2 semaphore(%run_scoped3A : memref<!tpu.dma_semaphore, #tpu.memory_space<semaphore_mem>>) src(%arg7 : memref<128x128xf32, #tpu.memory_space<vmem>>) dst(%dma_wait3A_136 : memref<128x128xf32, #tpu.memory_space<hbm>>)
      tpu.yield
    }) : () -> ()
    %dma_start3A_72 = arith.constant 5 : i32
    %dma_start3A_73 = arith.constant 0 : i32
    %dma_start3A_74 = tpu.memref_slice %arg5[%dma_start3A_72, %dma_start3A_73] : memref<8x128xi32, #tpu.memory_space<vmem>> -> memref<1x128xi32, #tpu.memory_space<vmem>>
    %dma_start3A_75 = tpu.memref_squeeze %dma_start3A_74 : memref<1x128xi32, #tpu.memory_space<vmem>> -> memref<128xi32, #tpu.memory_space<vmem>>
    %dma_start3A_76 = arith.constant 0 : i32
    %dma_start3A_77 = arith.constant 0 : i32
    %dma_start3A_78 = tpu.memref_slice %arg2[%dma_start3A_76, %dma_start3A_77] : memref<4096x128xf32, #tpu.memory_space<hbm>> -> memref<4096x128xf32, #tpu.memory_space<hbm>>
    tpu.enqueue_indirect_dma source(%dma_start3A_78 : memref<4096x128xf32, #tpu.memory_space<hbm>>) target(%arg7 : memref<128x128xf32, #tpu.memory_space<vmem>>) offsets(%dma_start3A_75 : memref<128xi32, #tpu.memory_space<vmem>>) semaphore(%arg9 : memref<!tpu.dma_semaphore, #tpu.memory_space<semaphore_mem>>)
    %dma_wait3A_79 = arith.constant 4 : i32
    %dma_wait3A_80 = arith.constant 0 : i32
    %dma_wait3A_81 = tpu.memref_slice %arg5[%dma_wait3A_79, %dma_wait3A_80] : memref<8x128xi32, #tpu.memory_space<vmem>> -> memref<1x128xi32, #tpu.memory_space<vmem>>
    %dma_wait3A_82 = tpu.memref_squeeze %dma_wait3A_81 : memref<1x128xi32, #tpu.memory_space<vmem>> -> memref<128xi32, #tpu.memory_space<vmem>>
    %dma_wait3A_83 = arith.constant 0 : i32
    %dma_wait3A_84 = arith.constant 0 : i32
    %dma_wait3A_85 = tpu.memref_slice %arg2[%dma_wait3A_83, %dma_wait3A_84] : memref<4096x128xf32, #tpu.memory_space<hbm>> -> memref<4096x128xf32, #tpu.memory_space<hbm>>
    tpu.wait_indirect_dma semaphore(%arg8 : memref<!tpu.dma_semaphore, #tpu.memory_space<semaphore_mem>>) src(%dma_wait3A_85 : memref<4096x128xf32, #tpu.memory_space<hbm>>) dst(%arg6 : memref<128x128xf32, #tpu.memory_space<vmem>>)
    %add3A_86 = arith.constant 512 : i32
    %add3A_87 = arith.addi %mul3A_2, %add3A_86 : i32
    "tpu.region"() ({
      %run_scoped3A = tpu.sem_alloc : memref<!tpu.dma_semaphore, #tpu.memory_space<semaphore_mem>>
      %dma_start3A_129 = arith.constant 0 : i32
      %dma_start3A_130 = tpu.memref_slice %arg4[%add3A_87, %dma_start3A_129] : memref<32768x128xf32, #tpu.memory_space<hbm>> -> memref<128x128xf32, #tpu.memory_space<hbm>>
      %dma_start3A_131 = arith.constant 0 : i32
      %dma_start3A_132 = tpu.memref_slice %arg4[%add3A_87, %dma_start3A_131] : memref<32768x128xf32, #tpu.memory_space<hbm>> -> memref<128x128xf32, #tpu.memory_space<hbm>>
      tpu.enqueue_dma source(%arg6 : memref<128x128xf32, #tpu.memory_space<vmem>>) target(%dma_start3A_132 : memref<128x128xf32, #tpu.memory_space<hbm>>) target_semaphore(%run_scoped3A : memref<!tpu.dma_semaphore, #tpu.memory_space<semaphore_mem>>)
      %dma_wait3A_133 = arith.constant 0 : i32
      %dma_wait3A_134 = tpu.memref_slice %arg4[%add3A_87, %dma_wait3A_133] : memref<32768x128xf32, #tpu.memory_space<hbm>> -> memref<128x128xf32, #tpu.memory_space<hbm>>
      %dma_wait3A_135 = arith.constant 0 : i32
      %dma_wait3A_136 = tpu.memref_slice %arg4[%add3A_87, %dma_wait3A_135] : memref<32768x128xf32, #tpu.memory_space<hbm>> -> memref<128x128xf32, #tpu.memory_space<hbm>>
      tpu.wait_dma2 semaphore(%run_scoped3A : memref<!tpu.dma_semaphore, #tpu.memory_space<semaphore_mem>>) src(%arg6 : memref<128x128xf32, #tpu.memory_space<vmem>>) dst(%dma_wait3A_136 : memref<128x128xf32, #tpu.memory_space<hbm>>)
      tpu.yield
    }) : () -> ()
    %dma_start3A_88 = arith.constant 6 : i32
    %dma_start3A_89 = arith.constant 0 : i32
    %dma_start3A_90 = tpu.memref_slice %arg5[%dma_start3A_88, %dma_start3A_89] : memref<8x128xi32, #tpu.memory_space<vmem>> -> memref<1x128xi32, #tpu.memory_space<vmem>>
    %dma_start3A_91 = tpu.memref_squeeze %dma_start3A_90 : memref<1x128xi32, #tpu.memory_space<vmem>> -> memref<128xi32, #tpu.memory_space<vmem>>
    %dma_start3A_92 = arith.constant 0 : i32
    %dma_start3A_93 = arith.constant 0 : i32
    %dma_start3A_94 = tpu.memref_slice %arg2[%dma_start3A_92, %dma_start3A_93] : memref<4096x128xf32, #tpu.memory_space<hbm>> -> memref<4096x128xf32, #tpu.memory_space<hbm>>
    tpu.enqueue_indirect_dma source(%dma_start3A_94 : memref<4096x128xf32, #tpu.memory_space<hbm>>) target(%arg6 : memref<128x128xf32, #tpu.memory_space<vmem>>) offsets(%dma_start3A_91 : memref<128xi32, #tpu.memory_space<vmem>>) semaphore(%arg8 : memref<!tpu.dma_semaphore, #tpu.memory_space<semaphore_mem>>)
    %dma_wait3A_95 = arith.constant 5 : i32
    %dma_wait3A_96 = arith.constant 0 : i32
    %dma_wait3A_97 = tpu.memref_slice %arg5[%dma_wait3A_95, %dma_wait3A_96] : memref<8x128xi32, #tpu.memory_space<vmem>> -> memref<1x128xi32, #tpu.memory_space<vmem>>
    %dma_wait3A_98 = tpu.memref_squeeze %dma_wait3A_97 : memref<1x128xi32, #tpu.memory_space<vmem>> -> memref<128xi32, #tpu.memory_space<vmem>>
    %dma_wait3A_99 = arith.constant 0 : i32
    %dma_wait3A_100 = arith.constant 0 : i32
    %dma_wait3A_101 = tpu.memref_slice %arg2[%dma_wait3A_99, %dma_wait3A_100] : memref<4096x128xf32, #tpu.memory_space<hbm>> -> memref<4096x128xf32, #tpu.memory_space<hbm>>
    tpu.wait_indirect_dma semaphore(%arg9 : memref<!tpu.dma_semaphore, #tpu.memory_space<semaphore_mem>>) src(%dma_wait3A_101 : memref<4096x128xf32, #tpu.memory_space<hbm>>) dst(%arg7 : memref<128x128xf32, #tpu.memory_space<vmem>>)
    %add3A_102 = arith.constant 640 : i32
    %add3A_103 = arith.addi %mul3A_2, %add3A_102 : i32
    "tpu.region"() ({
      %run_scoped3A = tpu.sem_alloc : memref<!tpu.dma_semaphore, #tpu.memory_space<semaphore_mem>>
      %dma_start3A_129 = arith.constant 0 : i32
      %dma_start3A_130 = tpu.memref_slice %arg4[%add3A_103, %dma_start3A_129] : memref<32768x128xf32, #tpu.memory_space<hbm>> -> memref<128x128xf32, #tpu.memory_space<hbm>>
      %dma_start3A_131 = arith.constant 0 : i32
      %dma_start3A_132 = tpu.memref_slice %arg4[%add3A_103, %dma_start3A_131] : memref<32768x128xf32, #tpu.memory_space<hbm>> -> memref<128x128xf32, #tpu.memory_space<hbm>>
      tpu.enqueue_dma source(%arg7 : memref<128x128xf32, #tpu.memory_space<vmem>>) target(%dma_start3A_132 : memref<128x128xf32, #tpu.memory_space<hbm>>) target_semaphore(%run_scoped3A : memref<!tpu.dma_semaphore, #tpu.memory_space<semaphore_mem>>)
      %dma_wait3A_133 = arith.constant 0 : i32
      %dma_wait3A_134 = tpu.memref_slice %arg4[%add3A_103, %dma_wait3A_133] : memref<32768x128xf32, #tpu.memory_space<hbm>> -> memref<128x128xf32, #tpu.memory_space<hbm>>
      %dma_wait3A_135 = arith.constant 0 : i32
      %dma_wait3A_136 = tpu.memref_slice %arg4[%add3A_103, %dma_wait3A_135] : memref<32768x128xf32, #tpu.memory_space<hbm>> -> memref<128x128xf32, #tpu.memory_space<hbm>>
      tpu.wait_dma2 semaphore(%run_scoped3A : memref<!tpu.dma_semaphore, #tpu.memory_space<semaphore_mem>>) src(%arg7 : memref<128x128xf32, #tpu.memory_space<vmem>>) dst(%dma_wait3A_136 : memref<128x128xf32, #tpu.memory_space<hbm>>)
      tpu.yield
    }) : () -> ()
    %dma_start3A_104 = arith.constant 7 : i32
    %dma_start3A_105 = arith.constant 0 : i32
    %dma_start3A_106 = tpu.memref_slice %arg5[%dma_start3A_104, %dma_start3A_105] : memref<8x128xi32, #tpu.memory_space<vmem>> -> memref<1x128xi32, #tpu.memory_space<vmem>>
    %dma_start3A_107 = tpu.memref_squeeze %dma_start3A_106 : memref<1x128xi32, #tpu.memory_space<vmem>> -> memref<128xi32, #tpu.memory_space<vmem>>
    %dma_start3A_108 = arith.constant 0 : i32
    %dma_start3A_109 = arith.constant 0 : i32
    %dma_start3A_110 = tpu.memref_slice %arg2[%dma_start3A_108, %dma_start3A_109] : memref<4096x128xf32, #tpu.memory_space<hbm>> -> memref<4096x128xf32, #tpu.memory_space<hbm>>
    tpu.enqueue_indirect_dma source(%dma_start3A_110 : memref<4096x128xf32, #tpu.memory_space<hbm>>) target(%arg7 : memref<128x128xf32, #tpu.memory_space<vmem>>) offsets(%dma_start3A_107 : memref<128xi32, #tpu.memory_space<vmem>>) semaphore(%arg9 : memref<!tpu.dma_semaphore, #tpu.memory_space<semaphore_mem>>)
    %dma_wait3A_111 = arith.constant 6 : i32
    %dma_wait3A_112 = arith.constant 0 : i32
    %dma_wait3A_113 = tpu.memref_slice %arg5[%dma_wait3A_111, %dma_wait3A_112] : memref<8x128xi32, #tpu.memory_space<vmem>> -> memref<1x128xi32, #tpu.memory_space<vmem>>
    %dma_wait3A_114 = tpu.memref_squeeze %dma_wait3A_113 : memref<1x128xi32, #tpu.memory_space<vmem>> -> memref<128xi32, #tpu.memory_space<vmem>>
    %dma_wait3A_115 = arith.constant 0 : i32
    %dma_wait3A_116 = arith.constant 0 : i32
    %dma_wait3A_117 = tpu.memref_slice %arg2[%dma_wait3A_115, %dma_wait3A_116] : memref<4096x128xf32, #tpu.memory_space<hbm>> -> memref<4096x128xf32, #tpu.memory_space<hbm>>
    tpu.wait_indirect_dma semaphore(%arg8 : memref<!tpu.dma_semaphore, #tpu.memory_space<semaphore_mem>>) src(%dma_wait3A_117 : memref<4096x128xf32, #tpu.memory_space<hbm>>) dst(%arg6 : memref<128x128xf32, #tpu.memory_space<vmem>>)
    %add3A_118 = arith.constant 768 : i32
    %add3A_119 = arith.addi %mul3A_2, %add3A_118 : i32
    "tpu.region"() ({
      %run_scoped3A = tpu.sem_alloc : memref<!tpu.dma_semaphore, #tpu.memory_space<semaphore_mem>>
      %dma_start3A_129 = arith.constant 0 : i32
      %dma_start3A_130 = tpu.memref_slice %arg4[%add3A_119, %dma_start3A_129] : memref<32768x128xf32, #tpu.memory_space<hbm>> -> memref<128x128xf32, #tpu.memory_space<hbm>>
      %dma_start3A_131 = arith.constant 0 : i32
      %dma_start3A_132 = tpu.memref_slice %arg4[%add3A_119, %dma_start3A_131] : memref<32768x128xf32, #tpu.memory_space<hbm>> -> memref<128x128xf32, #tpu.memory_space<hbm>>
      tpu.enqueue_dma source(%arg6 : memref<128x128xf32, #tpu.memory_space<vmem>>) target(%dma_start3A_132 : memref<128x128xf32, #tpu.memory_space<hbm>>) target_semaphore(%run_scoped3A : memref<!tpu.dma_semaphore, #tpu.memory_space<semaphore_mem>>)
      %dma_wait3A_133 = arith.constant 0 : i32
      %dma_wait3A_134 = tpu.memref_slice %arg4[%add3A_119, %dma_wait3A_133] : memref<32768x128xf32, #tpu.memory_space<hbm>> -> memref<128x128xf32, #tpu.memory_space<hbm>>
      %dma_wait3A_135 = arith.constant 0 : i32
      %dma_wait3A_136 = tpu.memref_slice %arg4[%add3A_119, %dma_wait3A_135] : memref<32768x128xf32, #tpu.memory_space<hbm>> -> memref<128x128xf32, #tpu.memory_space<hbm>>
      tpu.wait_dma2 semaphore(%run_scoped3A : memref<!tpu.dma_semaphore, #tpu.memory_space<semaphore_mem>>) src(%arg6 : memref<128x128xf32, #tpu.memory_space<vmem>>) dst(%dma_wait3A_136 : memref<128x128xf32, #tpu.memory_space<hbm>>)
      tpu.yield
    }) : () -> ()
    %dma_wait3A_120 = arith.constant 7 : i32
    %dma_wait3A_121 = arith.constant 0 : i32
    %dma_wait3A_122 = tpu.memref_slice %arg5[%dma_wait3A_120, %dma_wait3A_121] : memref<8x128xi32, #tpu.memory_space<vmem>> -> memref<1x128xi32, #tpu.memory_space<vmem>>
    %dma_wait3A_123 = tpu.memref_squeeze %dma_wait3A_122 : memref<1x128xi32, #tpu.memory_space<vmem>> -> memref<128xi32, #tpu.memory_space<vmem>>
    %dma_wait3A_124 = arith.constant 0 : i32
    %dma_wait3A_125 = arith.constant 0 : i32
    %dma_wait3A_126 = tpu.memref_slice %arg2[%dma_wait3A_124, %dma_wait3A_125] : memref<4096x128xf32, #tpu.memory_space<hbm>> -> memref<4096x128xf32, #tpu.memory_space<hbm>>
    tpu.wait_indirect_dma semaphore(%arg9 : memref<!tpu.dma_semaphore, #tpu.memory_space<semaphore_mem>>) src(%dma_wait3A_126 : memref<4096x128xf32, #tpu.memory_space<hbm>>) dst(%arg7 : memref<128x128xf32, #tpu.memory_space<vmem>>)
    %add3A_127 = arith.constant 896 : i32
    %add3A_128 = arith.addi %mul3A_2, %add3A_127 : i32
    "tpu.region"() ({
      %run_scoped3A = tpu.sem_alloc : memref<!tpu.dma_semaphore, #tpu.memory_space<semaphore_mem>>
      %dma_start3A_129 = arith.constant 0 : i32
      %dma_start3A_130 = tpu.memref_slice %arg4[%add3A_128, %dma_start3A_129] : memref<32768x128xf32, #tpu.memory_space<hbm>> -> memref<128x128xf32, #tpu.memory_space<hbm>>
      %dma_start3A_131 = arith.constant 0 : i32
      %dma_start3A_132 = tpu.memref_slice %arg4[%add3A_128, %dma_start3A_131] : memref<32768x128xf32, #tpu.memory_space<hbm>> -> memref<128x128xf32, #tpu.memory_space<hbm>>
      tpu.enqueue_dma source(%arg7 : memref<128x128xf32, #tpu.memory_space<vmem>>) target(%dma_start3A_132 : memref<128x128xf32, #tpu.memory_space<hbm>>) target_semaphore(%run_scoped3A : memref<!tpu.dma_semaphore, #tpu.memory_space<semaphore_mem>>)
      %dma_wait3A_133 = arith.constant 0 : i32
      %dma_wait3A_134 = tpu.memref_slice %arg4[%add3A_128, %dma_wait3A_133] : memref<32768x128xf32, #tpu.memory_space<hbm>> -> memref<128x128xf32, #tpu.memory_space<hbm>>
      %dma_wait3A_135 = arith.constant 0 : i32
      %dma_wait3A_136 = tpu.memref_slice %arg4[%add3A_128, %dma_wait3A_135] : memref<32768x128xf32, #tpu.memory_space<hbm>> -> memref<128x128xf32, #tpu.memory_space<hbm>>
      tpu.wait_dma2 semaphore(%run_scoped3A : memref<!tpu.dma_semaphore, #tpu.memory_space<semaphore_mem>>) src(%arg7 : memref<128x128xf32, #tpu.memory_space<vmem>>) dst(%dma_wait3A_136 : memref<128x128xf32, #tpu.memory_space<hbm>>)
      tpu.yield
    }) : () -> ()
    return
  }
}

#map = affine_map<(d0, d1) -> (0, 0)>
#map1 = affine_map<(d0, d1) -> (0, 0, 0)>
module attributes {stable_mosaic.version = 14 : i64} {
  func.func @k(%arg0: i32, %arg1: i32, %arg2: memref<4096x128xf32, #tpu.memory_space<hbm>>, %arg3: memref<32x8x128xi32, #tpu.memory_space<hbm>>, %arg4: memref<32768x128xf32, #tpu.memory_space<hbm>>, %arg5: memref<8x128xi32, #tpu.memory_space<vmem>>, %arg6: memref<128x128xf32, #tpu.memory_space<vmem>>, %arg7: memref<128x128xf32, #tpu.memory_space<vmem>>, %arg8: memref<!tpu.dma_semaphore, #tpu.memory_space<semaphore_mem>>, %arg9: memref<!tpu.dma_semaphore, #tpu.memory_space<semaphore_mem>>) attributes {dimension_semantics = [#tpu.dimension_semantics<core_parallel>, #tpu.dimension_semantics<subcore_parallel>], iteration_bounds = array<i64: 2, 16>, scalar_prefetch = 0 : i64, scratch_operands = 5 : i64, tpu.core_type = #tpu.core_type<sc_vector_subcore>, window_params = [{transform_indices = #map}, {transform_indices = #map1}, {transform_indices = #map}]} {
    %mul3A = arith.constant 2 : i32
    %mul3A_0 = arith.muli %arg1, %mul3A : i32
    %add3A = arith.addi %mul3A_0, %arg0 : i32
    %mul3A_1 = arith.constant 1024 : i32
    %mul3A_2 = arith.muli %add3A, %mul3A_1 : i32
    "tpu.region"() ({
      %run_scoped3A = tpu.sem_alloc : memref<!tpu.dma_semaphore, #tpu.memory_space<semaphore_mem>>
      %dma_start3A_129 = arith.constant 0 : i32
      %dma_start3A_130 = arith.constant 0 : i32
      %dma_start3A_131 = tpu.memref_slice %arg3[%add3A, %dma_start3A_129, %dma_start3A_130] : memref<32x8x128xi32, #tpu.memory_space<hbm>> -> memref<1x8x128xi32, #tpu.memory_space<hbm>>
      %dma_start3A_132 = tpu.memref_squeeze %dma_start3A_131 : memref<1x8x128xi32, #tpu.memory_space<hbm>> -> memref<8x128xi32, #tpu.memory_space<hbm>>
      %dma_start3A_133 = arith.constant 0 : i32
      %dma_start3A_134 = arith.constant 0 : i32
      %dma_start3A_135 = tpu.memref_slice %arg3[%add3A, %dma_start3A_133, %dma_start3A_134] : memref<32x8x128xi32, #tpu.memory_space<hbm>> -> memref<1x8x128xi32, #tpu.memory_space<hbm>>
      %dma_start3A_136 = tpu.memref_squeeze %dma_start3A_135 : memref<1x8x128xi32, #tpu.memory_space<hbm>> -> memref<8x128xi32, #tpu.memory_space<hbm>>
      tpu.enqueue_dma source(%dma_start3A_136 : memref<8x128xi32, #tpu.memory_space<hbm>>) target(%arg5 : memref<8x128xi32, #tpu.memory_space<vmem>>) target_semaphore(%run_scoped3A : memref<!tpu.dma_semaphore, #tpu.memory_space<semaphore_mem>>)
      %dma_wait3A_137 = arith.constant 0 : i32
      %dma_wait3A_138 = arith.constant 0 : i32
      %dma_wait3A_139 = tpu.memref_slice %arg3[%add3A, %dma_wait3A_137, %dma_wait3A_138] : memref<32x8x128xi32, #tpu.memory_space<hbm>> -> memref<1x8x128xi32, #tpu.memory_space<hbm>>
      %dma_wait3A_140 = tpu.memref_squeeze %dma_wait3A_139 : memref<1x8x128xi32, #tpu.memory_space<hbm>> -> memref<8x128xi32, #tpu.memory_space<hbm>>
      %dma_wait3A_141 = arith.constant 0 : i32
      %dma_wait3A_142 = arith.constant 0 : i32
      %dma_wait3A_143 = tpu.memref_slice %arg3[%add3A, %dma_wait3A_141, %dma_wait3A_142] : memref<32x8x128xi32, #tpu.memory_space<hbm>> -> memref<1x8x128xi32, #tpu.memory_space<hbm>>
      %dma_wait3A_144 = tpu.memref_squeeze %dma_wait3A_143 : memref<1x8x128xi32, #tpu.memory_space<hbm>> -> memref<8x128xi32, #tpu.memory_space<hbm>>
      tpu.wait_dma2 semaphore(%run_scoped3A : memref<!tpu.dma_semaphore, #tpu.memory_space<semaphore_mem>>) src(%dma_wait3A_144 : memref<8x128xi32, #tpu.memory_space<hbm>>) dst(%arg5 : memref<8x128xi32, #tpu.memory_space<vmem>>)
      tpu.yield
    }) : () -> ()
    %dma_start3A = arith.constant 0 : i32
    %dma_start3A_3 = arith.constant 0 : i32
    %dma_start3A_4 = tpu.memref_slice %arg5[%dma_start3A, %dma_start3A_3] : memref<8x128xi32, #tpu.memory_space<vmem>> -> memref<1x128xi32, #tpu.memory_space<vmem>>
    %dma_start3A_5 = tpu.memref_squeeze %dma_start3A_4 : memref<1x128xi32, #tpu.memory_space<vmem>> -> memref<128xi32, #tpu.memory_space<vmem>>
    %dma_start3A_6 = arith.constant 0 : i32
    %dma_start3A_7 = arith.constant 0 : i32
    %dma_start3A_8 = tpu.memref_slice %arg2[%dma_start3A_6, %dma_start3A_7] : memref<4096x128xf32, #tpu.memory_space<hbm>> -> memref<4096x128xf32, #tpu.memory_space<hbm>>
    tpu.enqueue_indirect_dma source(%dma_start3A_8 : memref<4096x128xf32, #tpu.memory_space<hbm>>) target(%arg6 : memref<128x128xf32, #tpu.memory_space<vmem>>) offsets(%dma_start3A_5 : memref<128xi32, #tpu.memory_space<vmem>>) semaphore(%arg8 : memref<!tpu.dma_semaphore, #tpu.memory_space<semaphore_mem>>)
    %dma_start3A_9 = arith.constant 1 : i32
    %dma_start3A_10 = arith.constant 0 : i32
    %dma_start3A_11 = tpu.memref_slice %arg5[%dma_start3A_9, %dma_start3A_10] : memref<8x128xi32, #tpu.memory_space<vmem>> -> memref<1x128xi32, #tpu.memory_space<vmem>>
    %dma_start3A_12 = tpu.memref_squeeze %dma_start3A_11 : memref<1x128xi32, #tpu.memory_space<vmem>> -> memref<128xi32, #tpu.memory_space<vmem>>
    %dma_start3A_13 = arith.constant 0 : i32
    %dma_start3A_14 = arith.constant 0 : i32
    %dma_start3A_15 = tpu.memref_slice %arg2[%dma_start3A_13, %dma_start3A_14] : memref<4096x128xf32, #tpu.memory_space<hbm>> -> memref<4096x128xf32, #tpu.memory_space<hbm>>
    tpu.enqueue_indirect_dma source(%dma_start3A_15 : memref<4096x128xf32, #tpu.memory_space<hbm>>) target(%arg7 : memref<128x128xf32, #tpu.memory_space<vmem>>) offsets(%dma_start3A_12 : memref<128xi32, #tpu.memory_space<vmem>>) semaphore(%arg9 : memref<!tpu.dma_semaphore, #tpu.memory_space<semaphore_mem>>)
    %dma_wait3A = arith.constant 0 : i32
    %dma_wait3A_16 = arith.constant 0 : i32
    %dma_wait3A_17 = tpu.memref_slice %arg5[%dma_wait3A, %dma_wait3A_16] : memref<8x128xi32, #tpu.memory_space<vmem>> -> memref<1x128xi32, #tpu.memory_space<vmem>>
    %dma_wait3A_18 = tpu.memref_squeeze %dma_wait3A_17 : memref<1x128xi32, #tpu.memory_space<vmem>> -> memref<128xi32, #tpu.memory_space<vmem>>
    %dma_wait3A_19 = arith.constant 0 : i32
    %dma_wait3A_20 = arith.constant 0 : i32
    %dma_wait3A_21 = tpu.memref_slice %arg2[%dma_wait3A_19, %dma_wait3A_20] : memref<4096x128xf32, #tpu.memory_space<hbm>> -> memref<4096x128xf32, #tpu.memory_space<hbm>>
    tpu.wait_indirect_dma semaphore(%arg8 : memref<!tpu.dma_semaphore, #tpu.memory_space<semaphore_mem>>) src(%dma_wait3A_21 : memref<4096x128xf32, #tpu.memory_space<hbm>>) dst(%arg6 : memref<128x128xf32, #tpu.memory_space<vmem>>)
    %add3A_22 = arith.constant 0 : i32
    %add3A_23 = arith.addi %mul3A_2, %add3A_22 : i32
    "tpu.region"() ({
      %run_scoped3A = tpu.sem_alloc : memref<!tpu.dma_semaphore, #tpu.memory_space<semaphore_mem>>
      %dma_start3A_129 = arith.constant 0 : i32
      %dma_start3A_130 = tpu.memref_slice %arg4[%add3A_23, %dma_start3A_129] : memref<32768x128xf32, #tpu.memory_space<hbm>> -> memref<128x128xf32, #tpu.memory_space<hbm>>
      %dma_start3A_131 = arith.constant 0 : i32
      %dma_start3A_132 = tpu.memref_slice %arg4[%add3A_23, %dma_start3A_131] : memref<32768x128xf32, #tpu.memory_space<hbm>> -> memref<128x128xf32, #tpu.memory_space<hbm>>
      tpu.enqueue_dma source(%arg6 : memref<128x128xf32, #tpu.memory_space<vmem>>) target(%dma_start3A_132 : memref<128x128xf32, #tpu.memory_space<hbm>>) target_semaphore(%run_scoped3A : memref<!tpu.dma_semaphore, #tpu.memory_space<semaphore_mem>>)
      %dma_wait3A_133 = arith.constant 0 : i32
      %dma_wait3A_134 = tpu.memref_slice %arg4[%add3A_23, %dma_wait3A_133] : memref<32768x128xf32, #tpu.memory_space<hbm>> -> memref<128x128xf32, #tpu.memory_space<hbm>>
      %dma_wait3A_135 = arith.constant 0 : i32
      %dma_wait3A_136 = tpu.memref_slice %arg4[%add3A_23, %dma_wait3A_135] : memref<32768x128xf32, #tpu.memory_space<hbm>> -> memref<128x128xf32, #tpu.memory_space<hbm>>
      tpu.wait_dma2 semaphore(%run_scoped3A : memref<!tpu.dma_semaphore, #tpu.memory_space<semaphore_mem>>) src(%arg6 : memref<128x128xf32, #tpu.memory_space<vmem>>) dst(%dma_wait3A_136 : memref<128x128xf32, #tpu.memory_space<hbm>>)
      tpu.yield
    }) : () -> ()
    %dma_start3A_24 = arith.constant 2 : i32
    %dma_start3A_25 = arith.constant 0 : i32
    %dma_start3A_26 = tpu.memref_slice %arg5[%dma_start3A_24, %dma_start3A_25] : memref<8x128xi32, #tpu.memory_space<vmem>> -> memref<1x128xi32, #tpu.memory_space<vmem>>
    %dma_start3A_27 = tpu.memref_squeeze %dma_start3A_26 : memref<1x128xi32, #tpu.memory_space<vmem>> -> memref<128xi32, #tpu.memory_space<vmem>>
    %dma_start3A_28 = arith.constant 0 : i32
    %dma_start3A_29 = arith.constant 0 : i32
    %dma_start3A_30 = tpu.memref_slice %arg2[%dma_start3A_28, %dma_start3A_29] : memref<4096x128xf32, #tpu.memory_space<hbm>> -> memref<4096x128xf32, #tpu.memory_space<hbm>>
    tpu.enqueue_indirect_dma source(%dma_start3A_30 : memref<4096x128xf32, #tpu.memory_space<hbm>>) target(%arg6 : memref<128x128xf32, #tpu.memory_space<vmem>>) offsets(%dma_start3A_27 : memref<128xi32, #tpu.memory_space<vmem>>) semaphore(%arg8 : memref<!tpu.dma_semaphore, #tpu.memory_space<semaphore_mem>>)
    %dma_wait3A_31 = arith.constant 1 : i32
    %dma_wait3A_32 = arith.constant 0 : i32
    %dma_wait3A_33 = tpu.memref_slice %arg5[%dma_wait3A_31, %dma_wait3A_32] : memref<8x128xi32, #tpu.memory_space<vmem>> -> memref<1x128xi32, #tpu.memory_space<vmem>>
    %dma_wait3A_34 = tpu.memref_squeeze %dma_wait3A_33 : memref<1x128xi32, #tpu.memory_space<vmem>> -> memref<128xi32, #tpu.memory_space<vmem>>
    %dma_wait3A_35 = arith.constant 0 : i32
    %dma_wait3A_36 = arith.constant 0 : i32
    %dma_wait3A_37 = tpu.memref_slice %arg2[%dma_wait3A_35, %dma_wait3A_36] : memref<4096x128xf32, #tpu.memory_space<hbm>> -> memref<4096x128xf32, #tpu.memory_space<hbm>>
    tpu.wait_indirect_dma semaphore(%arg9 : memref<!tpu.dma_semaphore, #tpu.memory_space<semaphore_mem>>) src(%dma_wait3A_37 : memref<4096x128xf32, #tpu.memory_space<hbm>>) dst(%arg7 : memref<128x128xf32, #tpu.memory_space<vmem>>)
    %add3A_38 = arith.constant 128 : i32
    %add3A_39 = arith.addi %mul3A_2, %add3A_38 : i32
    "tpu.region"() ({
      %run_scoped3A = tpu.sem_alloc : memref<!tpu.dma_semaphore, #tpu.memory_space<semaphore_mem>>
      %dma_start3A_129 = arith.constant 0 : i32
      %dma_start3A_130 = tpu.memref_slice %arg4[%add3A_39, %dma_start3A_129] : memref<32768x128xf32, #tpu.memory_space<hbm>> -> memref<128x128xf32, #tpu.memory_space<hbm>>
      %dma_start3A_131 = arith.constant 0 : i32
      %dma_start3A_132 = tpu.memref_slice %arg4[%add3A_39, %dma_start3A_131] : memref<32768x128xf32, #tpu.memory_space<hbm>> -> memref<128x128xf32, #tpu.memory_space<hbm>>
      tpu.enqueue_dma source(%arg7 : memref<128x128xf32, #tpu.memory_space<vmem>>) target(%dma_start3A_132 : memref<128x128xf32, #tpu.memory_space<hbm>>) target_semaphore(%run_scoped3A : memref<!tpu.dma_semaphore, #tpu.memory_space<semaphore_mem>>)
      %dma_wait3A_133 = arith.constant 0 : i32
      %dma_wait3A_134 = tpu.memref_slice %arg4[%add3A_39, %dma_wait3A_133] : memref<32768x128xf32, #tpu.memory_space<hbm>> -> memref<128x128xf32, #tpu.memory_space<hbm>>
      %dma_wait3A_135 = arith.constant 0 : i32
      %dma_wait3A_136 = tpu.memref_slice %arg4[%add3A_39, %dma_wait3A_135] : memref<32768x128xf32, #tpu.memory_space<hbm>> -> memref<128x128xf32, #tpu.memory_space<hbm>>
      tpu.wait_dma2 semaphore(%run_scoped3A : memref<!tpu.dma_semaphore, #tpu.memory_space<semaphore_mem>>) src(%arg7 : memref<128x128xf32, #tpu.memory_space<vmem>>) dst(%dma_wait3A_136 : memref<128x128xf32, #tpu.memory_space<hbm>>)
      tpu.yield
    }) : () -> ()
    %dma_start3A_40 = arith.constant 3 : i32
    %dma_start3A_41 = arith.constant 0 : i32
    %dma_start3A_42 = tpu.memref_slice %arg5[%dma_start3A_40, %dma_start3A_41] : memref<8x128xi32, #tpu.memory_space<vmem>> -> memref<1x128xi32, #tpu.memory_space<vmem>>
    %dma_start3A_43 = tpu.memref_squeeze %dma_start3A_42 : memref<1x128xi32, #tpu.memory_space<vmem>> -> memref<128xi32, #tpu.memory_space<vmem>>
    %dma_start3A_44 = arith.constant 0 : i32
    %dma_start3A_45 = arith.constant 0 : i32
    %dma_start3A_46 = tpu.memref_slice %arg2[%dma_start3A_44, %dma_start3A_45] : memref<4096x128xf32, #tpu.memory_space<hbm>> -> memref<4096x128xf32, #tpu.memory_space<hbm>>
    tpu.enqueue_indirect_dma source(%dma_start3A_46 : memref<4096x128xf32, #tpu.memory_space<hbm>>) target(%arg7 : memref<128x128xf32, #tpu.memory_space<vmem>>) offsets(%dma_start3A_43 : memref<128xi32, #tpu.memory_space<vmem>>) semaphore(%arg9 : memref<!tpu.dma_semaphore, #tpu.memory_space<semaphore_mem>>)
    %dma_wait3A_47 = arith.constant 2 : i32
    %dma_wait3A_48 = arith.constant 0 : i32
    %dma_wait3A_49 = tpu.memref_slice %arg5[%dma_wait3A_47, %dma_wait3A_48] : memref<8x128xi32, #tpu.memory_space<vmem>> -> memref<1x128xi32, #tpu.memory_space<vmem>>
    %dma_wait3A_50 = tpu.memref_squeeze %dma_wait3A_49 : memref<1x128xi32, #tpu.memory_space<vmem>> -> memref<128xi32, #tpu.memory_space<vmem>>
    %dma_wait3A_51 = arith.constant 0 : i32
    %dma_wait3A_52 = arith.constant 0 : i32
    %dma_wait3A_53 = tpu.memref_slice %arg2[%dma_wait3A_51, %dma_wait3A_52] : memref<4096x128xf32, #tpu.memory_space<hbm>> -> memref<4096x128xf32, #tpu.memory_space<hbm>>
    tpu.wait_indirect_dma semaphore(%arg8 : memref<!tpu.dma_semaphore, #tpu.memory_space<semaphore_mem>>) src(%dma_wait3A_53 : memref<4096x128xf32, #tpu.memory_space<hbm>>) dst(%arg6 : memref<128x128xf32, #tpu.memory_space<vmem>>)
    %add3A_54 = arith.constant 256 : i32
    %add3A_55 = arith.addi %mul3A_2, %add3A_54 : i32
    "tpu.region"() ({
      %run_scoped3A = tpu.sem_alloc : memref<!tpu.dma_semaphore, #tpu.memory_space<semaphore_mem>>
      %dma_start3A_129 = arith.constant 0 : i32
      %dma_start3A_130 = tpu.memref_slice %arg4[%add3A_55, %dma_start3A_129] : memref<32768x128xf32, #tpu.memory_space<hbm>> -> memref<128x128xf32, #tpu.memory_space<hbm>>
      %dma_start3A_131 = arith.constant 0 : i32
      %dma_start3A_132 = tpu.memref_slice %arg4[%add3A_55, %dma_start3A_131] : memref<32768x128xf32, #tpu.memory_space<hbm>> -> memref<128x128xf32, #tpu.memory_space<hbm>>
      tpu.enqueue_dma source(%arg6 : memref<128x128xf32, #tpu.memory_space<vmem>>) target(%dma_start3A_132 : memref<128x128xf32, #tpu.memory_space<hbm>>) target_semaphore(%run_scoped3A : memref<!tpu.dma_semaphore, #tpu.memory_space<semaphore_mem>>)
      %dma_wait3A_133 = arith.constant 0 : i32
      %dma_wait3A_134 = tpu.memref_slice %arg4[%add3A_55, %dma_wait3A_133] : memref<32768x128xf32, #tpu.memory_space<hbm>> -> memref<128x128xf32, #tpu.memory_space<hbm>>
      %dma_wait3A_135 = arith.constant 0 : i32
      %dma_wait3A_136 = tpu.memref_slice %arg4[%add3A_55, %dma_wait3A_135] : memref<32768x128xf32, #tpu.memory_space<hbm>> -> memref<128x128xf32, #tpu.memory_space<hbm>>
      tpu.wait_dma2 semaphore(%run_scoped3A : memref<!tpu.dma_semaphore, #tpu.memory_space<semaphore_mem>>) src(%arg6 : memref<128x128xf32, #tpu.memory_space<vmem>>) dst(%dma_wait3A_136 : memref<128x128xf32, #tpu.memory_space<hbm>>)
      tpu.yield
    }) : () -> ()
    %dma_start3A_56 = arith.constant 4 : i32
    %dma_start3A_57 = arith.constant 0 : i32
    %dma_start3A_58 = tpu.memref_slice %arg5[%dma_start3A_56, %dma_start3A_57] : memref<8x128xi32, #tpu.memory_space<vmem>> -> memref<1x128xi32, #tpu.memory_space<vmem>>
    %dma_start3A_59 = tpu.memref_squeeze %dma_start3A_58 : memref<1x128xi32, #tpu.memory_space<vmem>> -> memref<128xi32, #tpu.memory_space<vmem>>
    %dma_start3A_60 = arith.constant 0 : i32
    %dma_start3A_61 = arith.constant 0 : i32
    %dma_start3A_62 = tpu.memref_slice %arg2[%dma_start3A_60, %dma_start3A_61] : memref<4096x128xf32, #tpu.memory_space<hbm>> -> memref<4096x128xf32, #tpu.memory_space<hbm>>
    tpu.enqueue_indirect_dma source(%dma_start3A_62 : memref<4096x128xf32, #tpu.memory_space<hbm>>) target(%arg6 : memref<128x128xf32, #tpu.memory_space<vmem>>) offsets(%dma_start3A_59 : memref<128xi32, #tpu.memory_space<vmem>>) semaphore(%arg8 : memref<!tpu.dma_semaphore, #tpu.memory_space<semaphore_mem>>)
    %dma_wait3A_63 = arith.constant 3 : i32
    %dma_wait3A_64 = arith.constant 0 : i32
    %dma_wait3A_65 = tpu.memref_slice %arg5[%dma_wait3A_63, %dma_wait3A_64] : memref<8x128xi32, #tpu.memory_space<vmem>> -> memref<1x128xi32, #tpu.memory_space<vmem>>
    %dma_wait3A_66 = tpu.memref_squeeze %dma_wait3A_65 : memref<1x128xi32, #tpu.memory_space<vmem>> -> memref<128xi32, #tpu.memory_space<vmem>>
    %dma_wait3A_67 = arith.constant 0 : i32
    %dma_wait3A_68 = arith.constant 0 : i32
    %dma_wait3A_69 = tpu.memref_slice %arg2[%dma_wait3A_67, %dma_wait3A_68] : memref<4096x128xf32, #tpu.memory_space<hbm>> -> memref<4096x128xf32, #tpu.memory_space<hbm>>
    tpu.wait_indirect_dma semaphore(%arg9 : memref<!tpu.dma_semaphore, #tpu.memory_space<semaphore_mem>>) src(%dma_wait3A_69 : memref<4096x128xf32, #tpu.memory_space<hbm>>) dst(%arg7 : memref<128x128xf32, #tpu.memory_space<vmem>>)
    %add3A_70 = arith.constant 384 : i32
    %add3A_71 = arith.addi %mul3A_2, %add3A_70 : i32
    "tpu.region"() ({
      %run_scoped3A = tpu.sem_alloc : memref<!tpu.dma_semaphore, #tpu.memory_space<semaphore_mem>>
      %dma_start3A_129 = arith.constant 0 : i32
      %dma_start3A_130 = tpu.memref_slice %arg4[%add3A_71, %dma_start3A_129] : memref<32768x128xf32, #tpu.memory_space<hbm>> -> memref<128x128xf32, #tpu.memory_space<hbm>>
      %dma_start3A_131 = arith.constant 0 : i32
      %dma_start3A_132 = tpu.memref_slice %arg4[%add3A_71, %dma_start3A_131] : memref<32768x128xf32, #tpu.memory_space<hbm>> -> memref<128x128xf32, #tpu.memory_space<hbm>>
      tpu.enqueue_dma source(%arg7 : memref<128x128xf32, #tpu.memory_space<vmem>>) target(%dma_start3A_132 : memref<128x128xf32, #tpu.memory_space<hbm>>) target_semaphore(%run_scoped3A : memref<!tpu.dma_semaphore, #tpu.memory_space<semaphore_mem>>)
      %dma_wait3A_133 = arith.constant 0 : i32
      %dma_wait3A_134 = tpu.memref_slice %arg4[%add3A_71, %dma_wait3A_133] : memref<32768x128xf32, #tpu.memory_space<hbm>> -> memref<128x128xf32, #tpu.memory_space<hbm>>
      %dma_wait3A_135 = arith.constant 0 : i32
      %dma_wait3A_136 = tpu.memref_slice %arg4[%add3A_71, %dma_wait3A_135] : memref<32768x128xf32, #tpu.memory_space<hbm>> -> memref<128x128xf32, #tpu.memory_space<hbm>>
      tpu.wait_dma2 semaphore(%run_scoped3A : memref<!tpu.dma_semaphore, #tpu.memory_space<semaphore_mem>>) src(%arg7 : memref<128x128xf32, #tpu.memory_space<vmem>>) dst(%dma_wait3A_136 : memref<128x128xf32, #tpu.memory_space<hbm>>)
      tpu.yield
    }) : () -> ()
    %dma_start3A_72 = arith.constant 5 : i32
    %dma_start3A_73 = arith.constant 0 : i32
    %dma_start3A_74 = tpu.memref_slice %arg5[%dma_start3A_72, %dma_start3A_73] : memref<8x128xi32, #tpu.memory_space<vmem>> -> memref<1x128xi32, #tpu.memory_space<vmem>>
    %dma_start3A_75 = tpu.memref_squeeze %dma_start3A_74 : memref<1x128xi32, #tpu.memory_space<vmem>> -> memref<128xi32, #tpu.memory_space<vmem>>
    %dma_start3A_76 = arith.constant 0 : i32
    %dma_start3A_77 = arith.constant 0 : i32
    %dma_start3A_78 = tpu.memref_slice %arg2[%dma_start3A_76, %dma_start3A_77] : memref<4096x128xf32, #tpu.memory_space<hbm>> -> memref<4096x128xf32, #tpu.memory_space<hbm>>
    tpu.enqueue_indirect_dma source(%dma_start3A_78 : memref<4096x128xf32, #tpu.memory_space<hbm>>) target(%arg7 : memref<128x128xf32, #tpu.memory_space<vmem>>) offsets(%dma_start3A_75 : memref<128xi32, #tpu.memory_space<vmem>>) semaphore(%arg9 : memref<!tpu.dma_semaphore, #tpu.memory_space<semaphore_mem>>)
    %dma_wait3A_79 = arith.constant 4 : i32
    %dma_wait3A_80 = arith.constant 0 : i32
    %dma_wait3A_81 = tpu.memref_slice %arg5[%dma_wait3A_79, %dma_wait3A_80] : memref<8x128xi32, #tpu.memory_space<vmem>> -> memref<1x128xi32, #tpu.memory_space<vmem>>
    %dma_wait3A_82 = tpu.memref_squeeze %dma_wait3A_81 : memref<1x128xi32, #tpu.memory_space<vmem>> -> memref<128xi32, #tpu.memory_space<vmem>>
    %dma_wait3A_83 = arith.constant 0 : i32
    %dma_wait3A_84 = arith.constant 0 : i32
    %dma_wait3A_85 = tpu.memref_slice %arg2[%dma_wait3A_83, %dma_wait3A_84] : memref<4096x128xf32, #tpu.memory_space<hbm>> -> memref<4096x128xf32, #tpu.memory_space<hbm>>
    tpu.wait_indirect_dma semaphore(%arg8 : memref<!tpu.dma_semaphore, #tpu.memory_space<semaphore_mem>>) src(%dma_wait3A_85 : memref<4096x128xf32, #tpu.memory_space<hbm>>) dst(%arg6 : memref<128x128xf32, #tpu.memory_space<vmem>>)
    %add3A_86 = arith.constant 512 : i32
    %add3A_87 = arith.addi %mul3A_2, %add3A_86 : i32
    "tpu.region"() ({
      %run_scoped3A = tpu.sem_alloc : memref<!tpu.dma_semaphore, #tpu.memory_space<semaphore_mem>>
      %dma_start3A_129 = arith.constant 0 : i32
      %dma_start3A_130 = tpu.memref_slice %arg4[%add3A_87, %dma_start3A_129] : memref<32768x128xf32, #tpu.memory_space<hbm>> -> memref<128x128xf32, #tpu.memory_space<hbm>>
      %dma_start3A_131 = arith.constant 0 : i32
      %dma_start3A_132 = tpu.memref_slice %arg4[%add3A_87, %dma_start3A_131] : memref<32768x128xf32, #tpu.memory_space<hbm>> -> memref<128x128xf32, #tpu.memory_space<hbm>>
      tpu.enqueue_dma source(%arg6 : memref<128x128xf32, #tpu.memory_space<vmem>>) target(%dma_start3A_132 : memref<128x128xf32, #tpu.memory_space<hbm>>) target_semaphore(%run_scoped3A : memref<!tpu.dma_semaphore, #tpu.memory_space<semaphore_mem>>)
      %dma_wait3A_133 = arith.constant 0 : i32
      %dma_wait3A_134 = tpu.memref_slice %arg4[%add3A_87, %dma_wait3A_133] : memref<32768x128xf32, #tpu.memory_space<hbm>> -> memref<128x128xf32, #tpu.memory_space<hbm>>
      %dma_wait3A_135 = arith.constant 0 : i32
      %dma_wait3A_136 = tpu.memref_slice %arg4[%add3A_87, %dma_wait3A_135] : memref<32768x128xf32, #tpu.memory_space<hbm>> -> memref<128x128xf32, #tpu.memory_space<hbm>>
      tpu.wait_dma2 semaphore(%run_scoped3A : memref<!tpu.dma_semaphore, #tpu.memory_space<semaphore_mem>>) src(%arg6 : memref<128x128xf32, #tpu.memory_space<vmem>>) dst(%dma_wait3A_136 : memref<128x128xf32, #tpu.memory_space<hbm>>)
      tpu.yield
    }) : () -> ()
    %dma_start3A_88 = arith.constant 6 : i32
    %dma_start3A_89 = arith.constant 0 : i32
    %dma_start3A_90 = tpu.memref_slice %arg5[%dma_start3A_88, %dma_start3A_89] : memref<8x128xi32, #tpu.memory_space<vmem>> -> memref<1x128xi32, #tpu.memory_space<vmem>>
    %dma_start3A_91 = tpu.memref_squeeze %dma_start3A_90 : memref<1x128xi32, #tpu.memory_space<vmem>> -> memref<128xi32, #tpu.memory_space<vmem>>
    %dma_start3A_92 = arith.constant 0 : i32
    %dma_start3A_93 = arith.constant 0 : i32
    %dma_start3A_94 = tpu.memref_slice %arg2[%dma_start3A_92, %dma_start3A_93] : memref<4096x128xf32, #tpu.memory_space<hbm>> -> memref<4096x128xf32, #tpu.memory_space<hbm>>
    tpu.enqueue_indirect_dma source(%dma_start3A_94 : memref<4096x128xf32, #tpu.memory_space<hbm>>) target(%arg6 : memref<128x128xf32, #tpu.memory_space<vmem>>) offsets(%dma_start3A_91 : memref<128xi32, #tpu.memory_space<vmem>>) semaphore(%arg8 : memref<!tpu.dma_semaphore, #tpu.memory_space<semaphore_mem>>)
    %dma_wait3A_95 = arith.constant 5 : i32
    %dma_wait3A_96 = arith.constant 0 : i32
    %dma_wait3A_97 = tpu.memref_slice %arg5[%dma_wait3A_95, %dma_wait3A_96] : memref<8x128xi32, #tpu.memory_space<vmem>> -> memref<1x128xi32, #tpu.memory_space<vmem>>
    %dma_wait3A_98 = tpu.memref_squeeze %dma_wait3A_97 : memref<1x128xi32, #tpu.memory_space<vmem>> -> memref<128xi32, #tpu.memory_space<vmem>>
    %dma_wait3A_99 = arith.constant 0 : i32
    %dma_wait3A_100 = arith.constant 0 : i32
    %dma_wait3A_101 = tpu.memref_slice %arg2[%dma_wait3A_99, %dma_wait3A_100] : memref<4096x128xf32, #tpu.memory_space<hbm>> -> memref<4096x128xf32, #tpu.memory_space<hbm>>
    tpu.wait_indirect_dma semaphore(%arg9 : memref<!tpu.dma_semaphore, #tpu.memory_space<semaphore_mem>>) src(%dma_wait3A_101 : memref<4096x128xf32, #tpu.memory_space<hbm>>) dst(%arg7 : memref<128x128xf32, #tpu.memory_space<vmem>>)
    %add3A_102 = arith.constant 640 : i32
    %add3A_103 = arith.addi %mul3A_2, %add3A_102 : i32
    "tpu.region"() ({
      %run_scoped3A = tpu.sem_alloc : memref<!tpu.dma_semaphore, #tpu.memory_space<semaphore_mem>>
      %dma_start3A_129 = arith.constant 0 : i32
      %dma_start3A_130 = tpu.memref_slice %arg4[%add3A_103, %dma_start3A_129] : memref<32768x128xf32, #tpu.memory_space<hbm>> -> memref<128x128xf32, #tpu.memory_space<hbm>>
      %dma_start3A_131 = arith.constant 0 : i32
      %dma_start3A_132 = tpu.memref_slice %arg4[%add3A_103, %dma_start3A_131] : memref<32768x128xf32, #tpu.memory_space<hbm>> -> memref<128x128xf32, #tpu.memory_space<hbm>>
      tpu.enqueue_dma source(%arg7 : memref<128x128xf32, #tpu.memory_space<vmem>>) target(%dma_start3A_132 : memref<128x128xf32, #tpu.memory_space<hbm>>) target_semaphore(%run_scoped3A : memref<!tpu.dma_semaphore, #tpu.memory_space<semaphore_mem>>)
      %dma_wait3A_133 = arith.constant 0 : i32
      %dma_wait3A_134 = tpu.memref_slice %arg4[%add3A_103, %dma_wait3A_133] : memref<32768x128xf32, #tpu.memory_space<hbm>> -> memref<128x128xf32, #tpu.memory_space<hbm>>
      %dma_wait3A_135 = arith.constant 0 : i32
      %dma_wait3A_136 = tpu.memref_slice %arg4[%add3A_103, %dma_wait3A_135] : memref<32768x128xf32, #tpu.memory_space<hbm>> -> memref<128x128xf32, #tpu.memory_space<hbm>>
      tpu.wait_dma2 semaphore(%run_scoped3A : memref<!tpu.dma_semaphore, #tpu.memory_space<semaphore_mem>>) src(%arg7 : memref<128x128xf32, #tpu.memory_space<vmem>>) dst(%dma_wait3A_136 : memref<128x128xf32, #tpu.memory_space<hbm>>)
      tpu.yield
    }) : () -> ()
    %dma_start3A_104 = arith.constant 7 : i32
    %dma_start3A_105 = arith.constant 0 : i32
    %dma_start3A_106 = tpu.memref_slice %arg5[%dma_start3A_104, %dma_start3A_105] : memref<8x128xi32, #tpu.memory_space<vmem>> -> memref<1x128xi32, #tpu.memory_space<vmem>>
    %dma_start3A_107 = tpu.memref_squeeze %dma_start3A_106 : memref<1x128xi32, #tpu.memory_space<vmem>> -> memref<128xi32, #tpu.memory_space<vmem>>
    %dma_start3A_108 = arith.constant 0 : i32
    %dma_start3A_109 = arith.constant 0 : i32
    %dma_start3A_110 = tpu.memref_slice %arg2[%dma_start3A_108, %dma_start3A_109] : memref<4096x128xf32, #tpu.memory_space<hbm>> -> memref<4096x128xf32, #tpu.memory_space<hbm>>
    tpu.enqueue_indirect_dma source(%dma_start3A_110 : memref<4096x128xf32, #tpu.memory_space<hbm>>) target(%arg7 : memref<128x128xf32, #tpu.memory_space<vmem>>) offsets(%dma_start3A_107 : memref<128xi32, #tpu.memory_space<vmem>>) semaphore(%arg9 : memref<!tpu.dma_semaphore, #tpu.memory_space<semaphore_mem>>)
    %dma_wait3A_111 = arith.constant 6 : i32
    %dma_wait3A_112 = arith.constant 0 : i32
    %dma_wait3A_113 = tpu.memref_slice %arg5[%dma_wait3A_111, %dma_wait3A_112] : memref<8x128xi32, #tpu.memory_space<vmem>> -> memref<1x128xi32, #tpu.memory_space<vmem>>
    %dma_wait3A_114 = tpu.memref_squeeze %dma_wait3A_113 : memref<1x128xi32, #tpu.memory_space<vmem>> -> memref<128xi32, #tpu.memory_space<vmem>>
    %dma_wait3A_115 = arith.constant 0 : i32
    %dma_wait3A_116 = arith.constant 0 : i32
    %dma_wait3A_117 = tpu.memref_slice %arg2[%dma_wait3A_115, %dma_wait3A_116] : memref<4096x128xf32, #tpu.memory_space<hbm>> -> memref<4096x128xf32, #tpu.memory_space<hbm>>
    tpu.wait_indirect_dma semaphore(%arg8 : memref<!tpu.dma_semaphore, #tpu.memory_space<semaphore_mem>>) src(%dma_wait3A_117 : memref<4096x128xf32, #tpu.memory_space<hbm>>) dst(%arg6 : memref<128x128xf32, #tpu.memory_space<vmem>>)
    %add3A_118 = arith.constant 768 : i32
    %add3A_119 = arith.addi %mul3A_2, %add3A_118 : i32
    "tpu.region"() ({
      %run_scoped3A = tpu.sem_alloc : memref<!tpu.dma_semaphore, #tpu.memory_space<semaphore_mem>>
      %dma_start3A_129 = arith.constant 0 : i32
      %dma_start3A_130 = tpu.memref_slice %arg4[%add3A_119, %dma_start3A_129] : memref<32768x128xf32, #tpu.memory_space<hbm>> -> memref<128x128xf32, #tpu.memory_space<hbm>>
      %dma_start3A_131 = arith.constant 0 : i32
      %dma_start3A_132 = tpu.memref_slice %arg4[%add3A_119, %dma_start3A_131] : memref<32768x128xf32, #tpu.memory_space<hbm>> -> memref<128x128xf32, #tpu.memory_space<hbm>>
      tpu.enqueue_dma source(%arg6 : memref<128x128xf32, #tpu.memory_space<vmem>>) target(%dma_start3A_132 : memref<128x128xf32, #tpu.memory_space<hbm>>) target_semaphore(%run_scoped3A : memref<!tpu.dma_semaphore, #tpu.memory_space<semaphore_mem>>)
      %dma_wait3A_133 = arith.constant 0 : i32
      %dma_wait3A_134 = tpu.memref_slice %arg4[%add3A_119, %dma_wait3A_133] : memref<32768x128xf32, #tpu.memory_space<hbm>> -> memref<128x128xf32, #tpu.memory_space<hbm>>
      %dma_wait3A_135 = arith.constant 0 : i32
      %dma_wait3A_136 = tpu.memref_slice %arg4[%add3A_119, %dma_wait3A_135] : memref<32768x128xf32, #tpu.memory_space<hbm>> -> memref<128x128xf32, #tpu.memory_space<hbm>>
      tpu.wait_dma2 semaphore(%run_scoped3A : memref<!tpu.dma_semaphore, #tpu.memory_space<semaphore_mem>>) src(%arg6 : memref<128x128xf32, #tpu.memory_space<vmem>>) dst(%dma_wait3A_136 : memref<128x128xf32, #tpu.memory_space<hbm>>)
      tpu.yield
    }) : () -> ()
    %dma_wait3A_120 = arith.constant 7 : i32
    %dma_wait3A_121 = arith.constant 0 : i32
    %dma_wait3A_122 = tpu.memref_slice %arg5[%dma_wait3A_120, %dma_wait3A_121] : memref<8x128xi32, #tpu.memory_space<vmem>> -> memref<1x128xi32, #tpu.memory_space<vmem>>
    %dma_wait3A_123 = tpu.memref_squeeze %dma_wait3A_122 : memref<1x128xi32, #tpu.memory_space<vmem>> -> memref<128xi32, #tpu.memory_space<vmem>>
    %dma_wait3A_124 = arith.constant 0 : i32
    %dma_wait3A_125 = arith.constant 0 : i32
    %dma_wait3A_126 = tpu.memref_slice %arg2[%dma_wait3A_124, %dma_wait3A_125] : memref<4096x128xf32, #tpu.memory_space<hbm>> -> memref<4096x128xf32, #tpu.memory_space<hbm>>
    tpu.wait_indirect_dma semaphore(%arg9 : memref<!tpu.dma_semaphore, #tpu.memory_space<semaphore_mem>>) src(%dma_wait3A_126 : memref<4096x128xf32, #tpu.memory_space<hbm>>) dst(%arg7 : memref<128x128xf32, #tpu.memory_space<vmem>>)
    %add3A_127 = arith.constant 896 : i32
    %add3A_128 = arith.addi %mul3A_2, %add3A_127 : i32
    "tpu.region"() ({
      %run_scoped3A = tpu.sem_alloc : memref<!tpu.dma_semaphore, #tpu.memory_space<semaphore_mem>>
      %dma_start3A_129 = arith.constant 0 : i32
      %dma_start3A_130 = tpu.memref_slice %arg4[%add3A_128, %dma_start3A_129] : memref<32768x128xf32, #tpu.memory_space<hbm>> -> memref<128x128xf32, #tpu.memory_space<hbm>>
      %dma_start3A_131 = arith.constant 0 : i32
      %dma_start3A_132 = tpu.memref_slice %arg4[%add3A_128, %dma_start3A_131] : memref<32768x128xf32, #tpu.memory_space<hbm>> -> memref<128x128xf32, #tpu.memory_space<hbm>>
      tpu.enqueue_dma source(%arg7 : memref<128x128xf32, #tpu.memory_space<vmem>>) target(%dma_start3A_132 : memref<128x128xf32, #tpu.memory_space<hbm>>) target_semaphore(%run_scoped3A : memref<!tpu.dma_semaphore, #tpu.memory_space<semaphore_mem>>)
      %dma_wait3A_133 = arith.constant 0 : i32
      %dma_wait3A_134 = tpu.memref_slice %arg4[%add3A_128, %dma_wait3A_133] : memref<32768x128xf32, #tpu.memory_space<hbm>> -> memref<128x128xf32, #tpu.memory_space<hbm>>
      %dma_wait3A_135 = arith.constant 0 : i32
      %dma_wait3A_136 = tpu.memref_slice %arg4[%add3A_128, %dma_wait3A_135] : memref<32768x128xf32, #tpu.memory_space<hbm>> -> memref<128x128xf32, #tpu.memory_space<hbm>>
      tpu.wait_dma2 semaphore(%run_scoped3A : memref<!tpu.dma_semaphore, #tpu.memory_space<semaphore_mem>>) src(%arg7 : memref<128x128xf32, #tpu.memory_space<vmem>>) dst(%dma_wait3A_136 : memref<128x128xf32, #tpu.memory_space<hbm>>)
      tpu.yield
    }) : () -> ()
    return
  }
}

module attributes {stable_mosaic.version = 14 : i64} {
  func.func @_topk_kernel(%arg0: i32, %arg1: i32, %arg2: memref<1x256x3xf32, #tpu.memory_space<vmem>>, %arg3: memref<1x3x2048xf32, #tpu.memory_space<vmem>>, %arg4: memref<1x256x16xi32, #tpu.memory_space<vmem>>, %arg5: memref<1x256x16xf32, #tpu.memory_space<vmem>>) attributes {dimension_semantics = [#tpu.dimension_semantics<arbitrary>, #tpu.dimension_semantics<arbitrary>], iteration_bounds = array<i64: 2, 4>, scalar_prefetch = 0 : i64, scratch_operands = 0 : i64, tpu.core_type = #tpu.core_type<tc>, window_params = [{transform_indices = @transform_0, window_bounds = array<i64: 1, 256, 3>}, {transform_indices = @transform_1, window_bounds = array<i64: 1, 3, 2048>}, {transform_indices = @transform_2, window_bounds = array<i64: 1, 256, 16>}, {transform_indices = @transform_3, window_bounds = array<i64: 1, 256, 16>}]} {
    %get3A = arith.constant 0 : index
    %get3A_0 = arith.constant 0 : index
    %get3A_1 = arith.constant 0 : index
    %get3A_2 = vector.load %arg2[%get3A, %get3A_0, %get3A_1] : memref<1x256x3xf32, #tpu.memory_space<vmem>>, vector<1x256x3xf32>
    %get3A_3 = vector.shape_cast %get3A_2 : vector<1x256x3xf32> to vector<256x3xf32>
    %get3A_4 = arith.constant 0 : index
    %get3A_5 = arith.constant 0 : index
    %get3A_6 = arith.constant 0 : index
    %get3A_7 = vector.load %arg3[%get3A_4, %get3A_5, %get3A_6] : memref<1x3x2048xf32, #tpu.memory_space<vmem>>, vector<1x3x2048xf32>
    %get3A_8 = vector.shape_cast %get3A_7 : vector<1x3x2048xf32> to vector<3x2048xf32>
    %mul3A = arith.mulf %get3A_3, %get3A_3 : vector<256x3xf32>
    %reduce_sum3A = arith.constant dense<0.000000e+00> : vector<256xf32>
    %reduce_sum3A_9 = vector.multi_reduction <add>, %mul3A, %reduce_sum3A [1] : vector<256x3xf32> to vector<256xf32>
    %broadcast_in_dim3A = vector.shape_cast %reduce_sum3A_9 : vector<256xf32> to vector<256x1xf32>
    %mul3A_10 = arith.mulf %get3A_8, %get3A_8 : vector<3x2048xf32>
    %reduce_sum3A_11 = arith.constant dense<0.000000e+00> : vector<2048xf32>
    %reduce_sum3A_12 = vector.multi_reduction <add>, %mul3A_10, %reduce_sum3A_11 [0] : vector<3x2048xf32> to vector<2048xf32>
    %broadcast_in_dim3A_13 = vector.shape_cast %reduce_sum3A_12 : vector<2048xf32> to vector<1x2048xf32>
    %convert_element_type3A = arith.truncf %get3A_3 : vector<256x3xf32> to vector<256x3xbf16>
    %convert_element_type3A_14 = arith.extf %convert_element_type3A : vector<256x3xbf16> to vector<256x3xf32>
    %convert_element_type3A_15 = arith.truncf %get3A_8 : vector<3x2048xf32> to vector<3x2048xbf16>
    %convert_element_type3A_16 = arith.extf %convert_element_type3A_15 : vector<3x2048xbf16> to vector<3x2048xf32>
    %slice3A = vector.extract_strided_slice %convert_element_type3A_14 {offsets = [0, 0], sizes = [256, 1], strides = [1, 1]} : vector<256x3xf32> to vector<256x1xf32>
    %slice3A_17 = vector.extract_strided_slice %convert_element_type3A_16 {offsets = [0, 0], sizes = [1, 2048], strides = [1, 1]} : vector<3x2048xf32> to vector<1x2048xf32>
    %mul3A_18 = vector.broadcast %slice3A : vector<256x1xf32> to vector<256x2048xf32>
    %mul3A_19 = vector.broadcast %slice3A_17 : vector<1x2048xf32> to vector<256x2048xf32>
    %mul3A_20 = arith.mulf %mul3A_18, %mul3A_19 : vector<256x2048xf32>
    %slice3A_21 = vector.extract_strided_slice %convert_element_type3A_14 {offsets = [0, 1], sizes = [256, 1], strides = [1, 1]} : vector<256x3xf32> to vector<256x1xf32>
    %slice3A_22 = vector.extract_strided_slice %convert_element_type3A_16 {offsets = [1, 0], sizes = [1, 2048], strides = [1, 1]} : vector<3x2048xf32> to vector<1x2048xf32>
    %mul3A_23 = vector.broadcast %slice3A_21 : vector<256x1xf32> to vector<256x2048xf32>
    %mul3A_24 = vector.broadcast %slice3A_22 : vector<1x2048xf32> to vector<256x2048xf32>
    %mul3A_25 = arith.mulf %mul3A_23, %mul3A_24 : vector<256x2048xf32>
    %add3A = arith.addf %mul3A_20, %mul3A_25 : vector<256x2048xf32>
    %slice3A_26 = vector.extract_strided_slice %convert_element_type3A_14 {offsets = [0, 2], sizes = [256, 1], strides = [1, 1]} : vector<256x3xf32> to vector<256x1xf32>
    %slice3A_27 = vector.extract_strided_slice %convert_element_type3A_16 {offsets = [2, 0], sizes = [1, 2048], strides = [1, 1]} : vector<3x2048xf32> to vector<1x2048xf32>
    %mul3A_28 = vector.broadcast %slice3A_26 : vector<256x1xf32> to vector<256x2048xf32>
    %mul3A_29 = vector.broadcast %slice3A_27 : vector<1x2048xf32> to vector<256x2048xf32>
    %mul3A_30 = arith.mulf %mul3A_28, %mul3A_29 : vector<256x2048xf32>
    %add3A_31 = arith.addf %add3A, %mul3A_30 : vector<256x2048xf32>
    %add3A_32 = vector.broadcast %broadcast_in_dim3A : vector<256x1xf32> to vector<256x2048xf32>
    %add3A_33 = vector.broadcast %broadcast_in_dim3A_13 : vector<1x2048xf32> to vector<256x2048xf32>
    %add3A_34 = arith.addf %add3A_32, %add3A_33 : vector<256x2048xf32>
    %mul3A_35 = arith.constant 2.000000e+00 : f32
    %mul3A_36 = vector.broadcast %mul3A_35 : f32 to vector<256x2048xf32>
    %mul3A_37 = arith.mulf %mul3A_36, %add3A_31 : vector<256x2048xf32>
    %sub3A = arith.subf %add3A_34, %mul3A_37 : vector<256x2048xf32>
    %slice3A_38 = vector.extract_strided_slice %get3A_3 {offsets = [0, 0], sizes = [256, 1], strides = [1, 1]} : vector<256x3xf32> to vector<256x1xf32>
    %slice3A_39 = vector.extract_strided_slice %get3A_8 {offsets = [0, 0], sizes = [1, 2048], strides = [1, 1]} : vector<3x2048xf32> to vector<1x2048xf32>
    %mul3A_40 = vector.broadcast %slice3A_38 : vector<256x1xf32> to vector<256x2048xf32>
    %mul3A_41 = vector.broadcast %slice3A_39 : vector<1x2048xf32> to vector<256x2048xf32>
    %mul3A_42 = arith.mulf %mul3A_40, %mul3A_41 : vector<256x2048xf32>
    %slice3A_43 = vector.extract_strided_slice %get3A_3 {offsets = [0, 1], sizes = [256, 1], strides = [1, 1]} : vector<256x3xf32> to vector<256x1xf32>
    %slice3A_44 = vector.extract_strided_slice %get3A_8 {offsets = [1, 0], sizes = [1, 2048], strides = [1, 1]} : vector<3x2048xf32> to vector<1x2048xf32>
    %mul3A_45 = vector.broadcast %slice3A_43 : vector<256x1xf32> to vector<256x2048xf32>
    %mul3A_46 = vector.broadcast %slice3A_44 : vector<1x2048xf32> to vector<256x2048xf32>
    %mul3A_47 = arith.mulf %mul3A_45, %mul3A_46 : vector<256x2048xf32>
    %add3A_48 = arith.addf %mul3A_42, %mul3A_47 : vector<256x2048xf32>
    %slice3A_49 = vector.extract_strided_slice %get3A_3 {offsets = [0, 2], sizes = [256, 1], strides = [1, 1]} : vector<256x3xf32> to vector<256x1xf32>
    %slice3A_50 = vector.extract_strided_slice %get3A_8 {offsets = [2, 0], sizes = [1, 2048], strides = [1, 1]} : vector<3x2048xf32> to vector<1x2048xf32>
    %mul3A_51 = vector.broadcast %slice3A_49 : vector<256x1xf32> to vector<256x2048xf32>
    %mul3A_52 = vector.broadcast %slice3A_50 : vector<1x2048xf32> to vector<256x2048xf32>
    %mul3A_53 = arith.mulf %mul3A_51, %mul3A_52 : vector<256x2048xf32>
    %add3A_54 = arith.addf %add3A_48, %mul3A_53 : vector<256x2048xf32>
    %add3A_55 = vector.broadcast %broadcast_in_dim3A : vector<256x1xf32> to vector<256x2048xf32>
    %add3A_56 = vector.broadcast %broadcast_in_dim3A_13 : vector<1x2048xf32> to vector<256x2048xf32>
    %add3A_57 = arith.addf %add3A_55, %add3A_56 : vector<256x2048xf32>
    %mul3A_58 = arith.constant 2.000000e+00 : f32
    %mul3A_59 = vector.broadcast %mul3A_58 : f32 to vector<256x2048xf32>
    %mul3A_60 = arith.mulf %mul3A_59, %add3A_54 : vector<256x2048xf32>
    %sub3A_61 = arith.subf %add3A_57, %mul3A_60 : vector<256x2048xf32>
    %iota3A = tpu.iota {dimensions = array<i32: 1>} : vector<256x2048xi32>
    %bitcast_convert_type3A = tpu.bitcast %sub3A : vector<256x2048xf32> -> vector<256x2048xi32>
    %shift_right_arithmetic3A = arith.constant 31 : i32
    %shift_right_arithmetic3A_62 = vector.broadcast %shift_right_arithmetic3A : i32 to vector<256x2048xi32>
    %shift_right_arithmetic3A_63 = arith.shrsi %bitcast_convert_type3A, %shift_right_arithmetic3A_62 : vector<256x2048xi32>
    %and3A = arith.constant 2147483647 : i32
    %and3A_64 = vector.broadcast %and3A : i32 to vector<256x2048xi32>
    %and3A_65 = arith.andi %shift_right_arithmetic3A_63, %and3A_64 : vector<256x2048xi32>
    %xor3A = arith.xori %bitcast_convert_type3A, %and3A_65 : vector<256x2048xi32>
    %and3A_66 = arith.constant -2048 : i32
    %and3A_67 = vector.broadcast %and3A_66 : i32 to vector<256x2048xi32>
    %and3A_68 = arith.andi %xor3A, %and3A_67 : vector<256x2048xi32>
    %or3A = arith.ori %and3A_68, %iota3A : vector<256x2048xi32>
    %reduce_min3A = arith.constant dense<2147483647> : vector<256xi32>
    %reduce_min3A_69 = vector.multi_reduction <minsi>, %or3A, %reduce_min3A [1] : vector<256x2048xi32> to vector<256xi32>
    %broadcast_in_dim3A_70 = vector.shape_cast %reduce_min3A_69 : vector<256xi32> to vector<256x1xi32>
    %eq3A = vector.broadcast %broadcast_in_dim3A_70 : vector<256x1xi32> to vector<256x2048xi32>
    %eq3A_71 = arith.cmpi eq, %or3A, %eq3A : vector<256x2048xi32>
    %and3A_72 = arith.constant 2047 : i32
    %and3A_73 = vector.broadcast %and3A_72 : i32 to vector<256x1xi32>
    %and3A_74 = arith.andi %broadcast_in_dim3A_70, %and3A_73 : vector<256x1xi32>
    %jit3A = arith.constant 2147483647 : i32
    %broadcast_in_dim3A_75 = vector.broadcast %jit3A : i32 to vector<256x2048xi32>
    %select_n3A = arith.select %eq3A_71, %broadcast_in_dim3A_75, %or3A : vector<256x2048xi1>, vector<256x2048xi32>
    %jit3A_76 = arith.constant 0.000000e+00 : f32
    %broadcast_in_dim3A_77 = vector.broadcast %jit3A_76 : f32 to vector<256x2048xf32>
    %select_n3A_78 = arith.select %eq3A_71, %sub3A_61, %broadcast_in_dim3A_77 : vector<256x2048xi1>, vector<256x2048xf32>
    %reduce_sum3A_79 = arith.constant dense<0.000000e+00> : vector<256xf32>
    %reduce_sum3A_80 = vector.multi_reduction <add>, %select_n3A_78, %reduce_sum3A_79 [1] : vector<256x2048xf32> to vector<256xf32>
    %broadcast_in_dim3A_81 = vector.shape_cast %reduce_sum3A_80 : vector<256xf32> to vector<256x1xf32>
    %max3A = arith.constant 0.000000e+00 : f32
    %max3A_82 = vector.broadcast %max3A : f32 to vector<256x1xf32>
    %max3A_83 = arith.maximumf %broadcast_in_dim3A_81, %max3A_82 : vector<256x1xf32>
    %sqrt3A = math.sqrt %max3A_83 : vector<256x1xf32>
    %max3A_84 = arith.constant 1.000000e-10 : f32
    %max3A_85 = vector.broadcast %max3A_84 : f32 to vector<256x1xf32>
    %max3A_86 = arith.maximumf %sqrt3A, %max3A_85 : vector<256x1xf32>
    %div3A = arith.constant 1.000000e+00 : f32
    %div3A_87 = vector.broadcast %div3A : f32 to vector<256x1xf32>
    %div3A_88 = arith.divf %div3A_87, %max3A_86 : vector<256x1xf32>
    %mul3A_89 = arith.constant 2048 : i32
    %mul3A_90 = arith.muli %arg0, %mul3A_89 : i32
    %add3A_91 = vector.broadcast %mul3A_90 : i32 to vector<256x1xi32>
    %add3A_92 = arith.addi %and3A_74, %add3A_91 : vector<256x1xi32>
    %reduce_min3A_93 = arith.constant dense<2147483647> : vector<256xi32>
    %reduce_min3A_94 = vector.multi_reduction <minsi>, %select_n3A, %reduce_min3A_93 [1] : vector<256x2048xi32> to vector<256xi32>
    %broadcast_in_dim3A_95 = vector.shape_cast %reduce_min3A_94 : vector<256xi32> to vector<256x1xi32>
    %eq3A_96 = vector.broadcast %broadcast_in_dim3A_95 : vector<256x1xi32> to vector<256x2048xi32>
    %eq3A_97 = arith.cmpi eq, %select_n3A, %eq3A_96 : vector<256x2048xi32>
    %and3A_98 = arith.constant 2047 : i32
    %and3A_99 = vector.broadcast %and3A_98 : i32 to vector<256x1xi32>
    %and3A_100 = arith.andi %broadcast_in_dim3A_95, %and3A_99 : vector<256x1xi32>
    %jit3A_101 = arith.constant 2147483647 : i32
    %broadcast_in_dim3A_102 = vector.broadcast %jit3A_101 : i32 to vector<256x2048xi32>
    %select_n3A_103 = arith.select %eq3A_97, %broadcast_in_dim3A_102, %select_n3A : vector<256x2048xi1>, vector<256x2048xi32>
    %jit3A_104 = arith.constant 0.000000e+00 : f32
    %broadcast_in_dim3A_105 = vector.broadcast %jit3A_104 : f32 to vector<256x2048xf32>
    %select_n3A_106 = arith.select %eq3A_97, %sub3A_61, %broadcast_in_dim3A_105 : vector<256x2048xi1>, vector<256x2048xf32>
    %reduce_sum3A_107 = arith.constant dense<0.000000e+00> : vector<256xf32>
    %reduce_sum3A_108 = vector.multi_reduction <add>, %select_n3A_106, %reduce_sum3A_107 [1] : vector<256x2048xf32> to vector<256xf32>
    %broadcast_in_dim3A_109 = vector.shape_cast %reduce_sum3A_108 : vector<256xf32> to vector<256x1xf32>
    %max3A_110 = arith.constant 0.000000e+00 : f32
    %max3A_111 = vector.broadcast %max3A_110 : f32 to vector<256x1xf32>
    %max3A_112 = arith.maximumf %broadcast_in_dim3A_109, %max3A_111 : vector<256x1xf32>
    %sqrt3A_113 = math.sqrt %max3A_112 : vector<256x1xf32>
    %max3A_114 = arith.constant 1.000000e-10 : f32
    %max3A_115 = vector.broadcast %max3A_114 : f32 to vector<256x1xf32>
    %max3A_116 = arith.maximumf %sqrt3A_113, %max3A_115 : vector<256x1xf32>
    %div3A_117 = arith.constant 1.000000e+00 : f32
    %div3A_118 = vector.broadcast %div3A_117 : f32 to vector<256x1xf32>
    %div3A_119 = arith.divf %div3A_118, %max3A_116 : vector<256x1xf32>
    %mul3A_120 = arith.constant 2048 : i32
    %mul3A_121 = arith.muli %arg0, %mul3A_120 : i32
    %add3A_122 = vector.broadcast %mul3A_121 : i32 to vector<256x1xi32>
    %add3A_123 = arith.addi %and3A_100, %add3A_122 : vector<256x1xi32>
    %reduce_min3A_124 = arith.constant dense<2147483647> : vector<256xi32>
    %reduce_min3A_125 = vector.multi_reduction <minsi>, %select_n3A_103, %reduce_min3A_124 [1] : vector<256x2048xi32> to vector<256xi32>
    %broadcast_in_dim3A_126 = vector.shape_cast %reduce_min3A_125 : vector<256xi32> to vector<256x1xi32>
    %eq3A_127 = vector.broadcast %broadcast_in_dim3A_126 : vector<256x1xi32> to vector<256x2048xi32>
    %eq3A_128 = arith.cmpi eq, %select_n3A_103, %eq3A_127 : vector<256x2048xi32>
    %and3A_129 = arith.constant 2047 : i32
    %and3A_130 = vector.broadcast %and3A_129 : i32 to vector<256x1xi32>
    %and3A_131 = arith.andi %broadcast_in_dim3A_126, %and3A_130 : vector<256x1xi32>
    %jit3A_132 = arith.constant 2147483647 : i32
    %broadcast_in_dim3A_133 = vector.broadcast %jit3A_132 : i32 to vector<256x2048xi32>
    %select_n3A_134 = arith.select %eq3A_128, %broadcast_in_dim3A_133, %select_n3A_103 : vector<256x2048xi1>, vector<256x2048xi32>
    %jit3A_135 = arith.constant 0.000000e+00 : f32
    %broadcast_in_dim3A_136 = vector.broadcast %jit3A_135 : f32 to vector<256x2048xf32>
    %select_n3A_137 = arith.select %eq3A_128, %sub3A_61, %broadcast_in_dim3A_136 : vector<256x2048xi1>, vector<256x2048xf32>
    %reduce_sum3A_138 = arith.constant dense<0.000000e+00> : vector<256xf32>
    %reduce_sum3A_139 = vector.multi_reduction <add>, %select_n3A_137, %reduce_sum3A_138 [1] : vector<256x2048xf32> to vector<256xf32>
    %broadcast_in_dim3A_140 = vector.shape_cast %reduce_sum3A_139 : vector<256xf32> to vector<256x1xf32>
    %max3A_141 = arith.constant 0.000000e+00 : f32
    %max3A_142 = vector.broadcast %max3A_141 : f32 to vector<256x1xf32>
    %max3A_143 = arith.maximumf %broadcast_in_dim3A_140, %max3A_142 : vector<256x1xf32>
    %sqrt3A_144 = math.sqrt %max3A_143 : vector<256x1xf32>
    %max3A_145 = arith.constant 1.000000e-10 : f32
    %max3A_146 = vector.broadcast %max3A_145 : f32 to vector<256x1xf32>
    %max3A_147 = arith.maximumf %sqrt3A_144, %max3A_146 : vector<256x1xf32>
    %div3A_148 = arith.constant 1.000000e+00 : f32
    %div3A_149 = vector.broadcast %div3A_148 : f32 to vector<256x1xf32>
    %div3A_150 = arith.divf %div3A_149, %max3A_147 : vector<256x1xf32>
    %mul3A_151 = arith.constant 2048 : i32
    %mul3A_152 = arith.muli %arg0, %mul3A_151 : i32
    %add3A_153 = vector.broadcast %mul3A_152 : i32 to vector<256x1xi32>
    %add3A_154 = arith.addi %and3A_131, %add3A_153 : vector<256x1xi32>
    %reduce_min3A_155 = arith.constant dense<2147483647> : vector<256xi32>
    %reduce_min3A_156 = vector.multi_reduction <minsi>, %select_n3A_134, %reduce_min3A_155 [1] : vector<256x2048xi32> to vector<256xi32>
    %broadcast_in_dim3A_157 = vector.shape_cast %reduce_min3A_156 : vector<256xi32> to vector<256x1xi32>
    %eq3A_158 = vector.broadcast %broadcast_in_dim3A_157 : vector<256x1xi32> to vector<256x2048xi32>
    %eq3A_159 = arith.cmpi eq, %select_n3A_134, %eq3A_158 : vector<256x2048xi32>
    %and3A_160 = arith.constant 2047 : i32
    %and3A_161 = vector.broadcast %and3A_160 : i32 to vector<256x1xi32>
    %and3A_162 = arith.andi %broadcast_in_dim3A_157, %and3A_161 : vector<256x1xi32>
    %jit3A_163 = arith.constant 2147483647 : i32
    %broadcast_in_dim3A_164 = vector.broadcast %jit3A_163 : i32 to vector<256x2048xi32>
    %select_n3A_165 = arith.select %eq3A_159, %broadcast_in_dim3A_164, %select_n3A_134 : vector<256x2048xi1>, vector<256x2048xi32>
    %jit3A_166 = arith.constant 0.000000e+00 : f32
    %broadcast_in_dim3A_167 = vector.broadcast %jit3A_166 : f32 to vector<256x2048xf32>
    %select_n3A_168 = arith.select %eq3A_159, %sub3A_61, %broadcast_in_dim3A_167 : vector<256x2048xi1>, vector<256x2048xf32>
    %reduce_sum3A_169 = arith.constant dense<0.000000e+00> : vector<256xf32>
    %reduce_sum3A_170 = vector.multi_reduction <add>, %select_n3A_168, %reduce_sum3A_169 [1] : vector<256x2048xf32> to vector<256xf32>
    %broadcast_in_dim3A_171 = vector.shape_cast %reduce_sum3A_170 : vector<256xf32> to vector<256x1xf32>
    %max3A_172 = arith.constant 0.000000e+00 : f32
    %max3A_173 = vector.broadcast %max3A_172 : f32 to vector<256x1xf32>
    %max3A_174 = arith.maximumf %broadcast_in_dim3A_171, %max3A_173 : vector<256x1xf32>
    %sqrt3A_175 = math.sqrt %max3A_174 : vector<256x1xf32>
    %max3A_176 = arith.constant 1.000000e-10 : f32
    %max3A_177 = vector.broadcast %max3A_176 : f32 to vector<256x1xf32>
    %max3A_178 = arith.maximumf %sqrt3A_175, %max3A_177 : vector<256x1xf32>
    %div3A_179 = arith.constant 1.000000e+00 : f32
    %div3A_180 = vector.broadcast %div3A_179 : f32 to vector<256x1xf32>
    %div3A_181 = arith.divf %div3A_180, %max3A_178 : vector<256x1xf32>
    %mul3A_182 = arith.constant 2048 : i32
    %mul3A_183 = arith.muli %arg0, %mul3A_182 : i32
    %add3A_184 = vector.broadcast %mul3A_183 : i32 to vector<256x1xi32>
    %add3A_185 = arith.addi %and3A_162, %add3A_184 : vector<256x1xi32>
    %reduce_min3A_186 = arith.constant dense<2147483647> : vector<256xi32>
    %reduce_min3A_187 = vector.multi_reduction <minsi>, %select_n3A_165, %reduce_min3A_186 [1] : vector<256x2048xi32> to vector<256xi32>
    %broadcast_in_dim3A_188 = vector.shape_cast %reduce_min3A_187 : vector<256xi32> to vector<256x1xi32>
    %eq3A_189 = vector.broadcast %broadcast_in_dim3A_188 : vector<256x1xi32> to vector<256x2048xi32>
    %eq3A_190 = arith.cmpi eq, %select_n3A_165, %eq3A_189 : vector<256x2048xi32>
    %and3A_191 = arith.constant 2047 : i32
    %and3A_192 = vector.broadcast %and3A_191 : i32 to vector<256x1xi32>
    %and3A_193 = arith.andi %broadcast_in_dim3A_188, %and3A_192 : vector<256x1xi32>
    %jit3A_194 = arith.constant 2147483647 : i32
    %broadcast_in_dim3A_195 = vector.broadcast %jit3A_194 : i32 to vector<256x2048xi32>
    %select_n3A_196 = arith.select %eq3A_190, %broadcast_in_dim3A_195, %select_n3A_165 : vector<256x2048xi1>, vector<256x2048xi32>
    %jit3A_197 = arith.constant 0.000000e+00 : f32
    %broadcast_in_dim3A_198 = vector.broadcast %jit3A_197 : f32 to vector<256x2048xf32>
    %select_n3A_199 = arith.select %eq3A_190, %sub3A_61, %broadcast_in_dim3A_198 : vector<256x2048xi1>, vector<256x2048xf32>
    %reduce_sum3A_200 = arith.constant dense<0.000000e+00> : vector<256xf32>
    %reduce_sum3A_201 = vector.multi_reduction <add>, %select_n3A_199, %reduce_sum3A_200 [1] : vector<256x2048xf32> to vector<256xf32>
    %broadcast_in_dim3A_202 = vector.shape_cast %reduce_sum3A_201 : vector<256xf32> to vector<256x1xf32>
    %max3A_203 = arith.constant 0.000000e+00 : f32
    %max3A_204 = vector.broadcast %max3A_203 : f32 to vector<256x1xf32>
    %max3A_205 = arith.maximumf %broadcast_in_dim3A_202, %max3A_204 : vector<256x1xf32>
    %sqrt3A_206 = math.sqrt %max3A_205 : vector<256x1xf32>
    %max3A_207 = arith.constant 1.000000e-10 : f32
    %max3A_208 = vector.broadcast %max3A_207 : f32 to vector<256x1xf32>
    %max3A_209 = arith.maximumf %sqrt3A_206, %max3A_208 : vector<256x1xf32>
    %div3A_210 = arith.constant 1.000000e+00 : f32
    %div3A_211 = vector.broadcast %div3A_210 : f32 to vector<256x1xf32>
    %div3A_212 = arith.divf %div3A_211, %max3A_209 : vector<256x1xf32>
    %mul3A_213 = arith.constant 2048 : i32
    %mul3A_214 = arith.muli %arg0, %mul3A_213 : i32
    %add3A_215 = vector.broadcast %mul3A_214 : i32 to vector<256x1xi32>
    %add3A_216 = arith.addi %and3A_193, %add3A_215 : vector<256x1xi32>
    %reduce_min3A_217 = arith.constant dense<2147483647> : vector<256xi32>
    %reduce_min3A_218 = vector.multi_reduction <minsi>, %select_n3A_196, %reduce_min3A_217 [1] : vector<256x2048xi32> to vector<256xi32>
    %broadcast_in_dim3A_219 = vector.shape_cast %reduce_min3A_218 : vector<256xi32> to vector<256x1xi32>
    %eq3A_220 = vector.broadcast %broadcast_in_dim3A_219 : vector<256x1xi32> to vector<256x2048xi32>
    %eq3A_221 = arith.cmpi eq, %select_n3A_196, %eq3A_220 : vector<256x2048xi32>
    %and3A_222 = arith.constant 2047 : i32
    %and3A_223 = vector.broadcast %and3A_222 : i32 to vector<256x1xi32>
    %and3A_224 = arith.andi %broadcast_in_dim3A_219, %and3A_223 : vector<256x1xi32>
    %jit3A_225 = arith.constant 2147483647 : i32
    %broadcast_in_dim3A_226 = vector.broadcast %jit3A_225 : i32 to vector<256x2048xi32>
    %select_n3A_227 = arith.select %eq3A_221, %broadcast_in_dim3A_226, %select_n3A_196 : vector<256x2048xi1>, vector<256x2048xi32>
    %jit3A_228 = arith.constant 0.000000e+00 : f32
    %broadcast_in_dim3A_229 = vector.broadcast %jit3A_228 : f32 to vector<256x2048xf32>
    %select_n3A_230 = arith.select %eq3A_221, %sub3A_61, %broadcast_in_dim3A_229 : vector<256x2048xi1>, vector<256x2048xf32>
    %reduce_sum3A_231 = arith.constant dense<0.000000e+00> : vector<256xf32>
    %reduce_sum3A_232 = vector.multi_reduction <add>, %select_n3A_230, %reduce_sum3A_231 [1] : vector<256x2048xf32> to vector<256xf32>
    %broadcast_in_dim3A_233 = vector.shape_cast %reduce_sum3A_232 : vector<256xf32> to vector<256x1xf32>
    %max3A_234 = arith.constant 0.000000e+00 : f32
    %max3A_235 = vector.broadcast %max3A_234 : f32 to vector<256x1xf32>
    %max3A_236 = arith.maximumf %broadcast_in_dim3A_233, %max3A_235 : vector<256x1xf32>
    %sqrt3A_237 = math.sqrt %max3A_236 : vector<256x1xf32>
    %max3A_238 = arith.constant 1.000000e-10 : f32
    %max3A_239 = vector.broadcast %max3A_238 : f32 to vector<256x1xf32>
    %max3A_240 = arith.maximumf %sqrt3A_237, %max3A_239 : vector<256x1xf32>
    %div3A_241 = arith.constant 1.000000e+00 : f32
    %div3A_242 = vector.broadcast %div3A_241 : f32 to vector<256x1xf32>
    %div3A_243 = arith.divf %div3A_242, %max3A_240 : vector<256x1xf32>
    %mul3A_244 = arith.constant 2048 : i32
    %mul3A_245 = arith.muli %arg0, %mul3A_244 : i32
    %add3A_246 = vector.broadcast %mul3A_245 : i32 to vector<256x1xi32>
    %add3A_247 = arith.addi %and3A_224, %add3A_246 : vector<256x1xi32>
    %reduce_min3A_248 = arith.constant dense<2147483647> : vector<256xi32>
    %reduce_min3A_249 = vector.multi_reduction <minsi>, %select_n3A_227, %reduce_min3A_248 [1] : vector<256x2048xi32> to vector<256xi32>
    %broadcast_in_dim3A_250 = vector.shape_cast %reduce_min3A_249 : vector<256xi32> to vector<256x1xi32>
    %eq3A_251 = vector.broadcast %broadcast_in_dim3A_250 : vector<256x1xi32> to vector<256x2048xi32>
    %eq3A_252 = arith.cmpi eq, %select_n3A_227, %eq3A_251 : vector<256x2048xi32>
    %and3A_253 = arith.constant 2047 : i32
    %and3A_254 = vector.broadcast %and3A_253 : i32 to vector<256x1xi32>
    %and3A_255 = arith.andi %broadcast_in_dim3A_250, %and3A_254 : vector<256x1xi32>
    %jit3A_256 = arith.constant 2147483647 : i32
    %broadcast_in_dim3A_257 = vector.broadcast %jit3A_256 : i32 to vector<256x2048xi32>
    %select_n3A_258 = arith.select %eq3A_252, %broadcast_in_dim3A_257, %select_n3A_227 : vector<256x2048xi1>, vector<256x2048xi32>
    %jit3A_259 = arith.constant 0.000000e+00 : f32
    %broadcast_in_dim3A_260 = vector.broadcast %jit3A_259 : f32 to vector<256x2048xf32>
    %select_n3A_261 = arith.select %eq3A_252, %sub3A_61, %broadcast_in_dim3A_260 : vector<256x2048xi1>, vector<256x2048xf32>
    %reduce_sum3A_262 = arith.constant dense<0.000000e+00> : vector<256xf32>
    %reduce_sum3A_263 = vector.multi_reduction <add>, %select_n3A_261, %reduce_sum3A_262 [1] : vector<256x2048xf32> to vector<256xf32>
    %broadcast_in_dim3A_264 = vector.shape_cast %reduce_sum3A_263 : vector<256xf32> to vector<256x1xf32>
    %max3A_265 = arith.constant 0.000000e+00 : f32
    %max3A_266 = vector.broadcast %max3A_265 : f32 to vector<256x1xf32>
    %max3A_267 = arith.maximumf %broadcast_in_dim3A_264, %max3A_266 : vector<256x1xf32>
    %sqrt3A_268 = math.sqrt %max3A_267 : vector<256x1xf32>
    %max3A_269 = arith.constant 1.000000e-10 : f32
    %max3A_270 = vector.broadcast %max3A_269 : f32 to vector<256x1xf32>
    %max3A_271 = arith.maximumf %sqrt3A_268, %max3A_270 : vector<256x1xf32>
    %div3A_272 = arith.constant 1.000000e+00 : f32
    %div3A_273 = vector.broadcast %div3A_272 : f32 to vector<256x1xf32>
    %div3A_274 = arith.divf %div3A_273, %max3A_271 : vector<256x1xf32>
    %mul3A_275 = arith.constant 2048 : i32
    %mul3A_276 = arith.muli %arg0, %mul3A_275 : i32
    %add3A_277 = vector.broadcast %mul3A_276 : i32 to vector<256x1xi32>
    %add3A_278 = arith.addi %and3A_255, %add3A_277 : vector<256x1xi32>
    %reduce_min3A_279 = arith.constant dense<2147483647> : vector<256xi32>
    %reduce_min3A_280 = vector.multi_reduction <minsi>, %select_n3A_258, %reduce_min3A_279 [1] : vector<256x2048xi32> to vector<256xi32>
    %broadcast_in_dim3A_281 = vector.shape_cast %reduce_min3A_280 : vector<256xi32> to vector<256x1xi32>
    %eq3A_282 = vector.broadcast %broadcast_in_dim3A_281 : vector<256x1xi32> to vector<256x2048xi32>
    %eq3A_283 = arith.cmpi eq, %select_n3A_258, %eq3A_282 : vector<256x2048xi32>
    %and3A_284 = arith.constant 2047 : i32
    %and3A_285 = vector.broadcast %and3A_284 : i32 to vector<256x1xi32>
    %and3A_286 = arith.andi %broadcast_in_dim3A_281, %and3A_285 : vector<256x1xi32>
    %jit3A_287 = arith.constant 2147483647 : i32
    %broadcast_in_dim3A_288 = vector.broadcast %jit3A_287 : i32 to vector<256x2048xi32>
    %select_n3A_289 = arith.select %eq3A_283, %broadcast_in_dim3A_288, %select_n3A_258 : vector<256x2048xi1>, vector<256x2048xi32>
    %jit3A_290 = arith.constant 0.000000e+00 : f32
    %broadcast_in_dim3A_291 = vector.broadcast %jit3A_290 : f32 to vector<256x2048xf32>
    %select_n3A_292 = arith.select %eq3A_283, %sub3A_61, %broadcast_in_dim3A_291 : vector<256x2048xi1>, vector<256x2048xf32>
    %reduce_sum3A_293 = arith.constant dense<0.000000e+00> : vector<256xf32>
    %reduce_sum3A_294 = vector.multi_reduction <add>, %select_n3A_292, %reduce_sum3A_293 [1] : vector<256x2048xf32> to vector<256xf32>
    %broadcast_in_dim3A_295 = vector.shape_cast %reduce_sum3A_294 : vector<256xf32> to vector<256x1xf32>
    %max3A_296 = arith.constant 0.000000e+00 : f32
    %max3A_297 = vector.broadcast %max3A_296 : f32 to vector<256x1xf32>
    %max3A_298 = arith.maximumf %broadcast_in_dim3A_295, %max3A_297 : vector<256x1xf32>
    %sqrt3A_299 = math.sqrt %max3A_298 : vector<256x1xf32>
    %max3A_300 = arith.constant 1.000000e-10 : f32
    %max3A_301 = vector.broadcast %max3A_300 : f32 to vector<256x1xf32>
    %max3A_302 = arith.maximumf %sqrt3A_299, %max3A_301 : vector<256x1xf32>
    %div3A_303 = arith.constant 1.000000e+00 : f32
    %div3A_304 = vector.broadcast %div3A_303 : f32 to vector<256x1xf32>
    %div3A_305 = arith.divf %div3A_304, %max3A_302 : vector<256x1xf32>
    %mul3A_306 = arith.constant 2048 : i32
    %mul3A_307 = arith.muli %arg0, %mul3A_306 : i32
    %add3A_308 = vector.broadcast %mul3A_307 : i32 to vector<256x1xi32>
    %add3A_309 = arith.addi %and3A_286, %add3A_308 : vector<256x1xi32>
    %reduce_min3A_310 = arith.constant dense<2147483647> : vector<256xi32>
    %reduce_min3A_311 = vector.multi_reduction <minsi>, %select_n3A_289, %reduce_min3A_310 [1] : vector<256x2048xi32> to vector<256xi32>
    %broadcast_in_dim3A_312 = vector.shape_cast %reduce_min3A_311 : vector<256xi32> to vector<256x1xi32>
    %eq3A_313 = vector.broadcast %broadcast_in_dim3A_312 : vector<256x1xi32> to vector<256x2048xi32>
    %eq3A_314 = arith.cmpi eq, %select_n3A_289, %eq3A_313 : vector<256x2048xi32>
    %and3A_315 = arith.constant 2047 : i32
    %and3A_316 = vector.broadcast %and3A_315 : i32 to vector<256x1xi32>
    %and3A_317 = arith.andi %broadcast_in_dim3A_312, %and3A_316 : vector<256x1xi32>
    %jit3A_318 = arith.constant 2147483647 : i32
    %broadcast_in_dim3A_319 = vector.broadcast %jit3A_318 : i32 to vector<256x2048xi32>
    %select_n3A_320 = arith.select %eq3A_314, %broadcast_in_dim3A_319, %select_n3A_289 : vector<256x2048xi1>, vector<256x2048xi32>
    %jit3A_321 = arith.constant 0.000000e+00 : f32
    %broadcast_in_dim3A_322 = vector.broadcast %jit3A_321 : f32 to vector<256x2048xf32>
    %select_n3A_323 = arith.select %eq3A_314, %sub3A_61, %broadcast_in_dim3A_322 : vector<256x2048xi1>, vector<256x2048xf32>
    %reduce_sum3A_324 = arith.constant dense<0.000000e+00> : vector<256xf32>
    %reduce_sum3A_325 = vector.multi_reduction <add>, %select_n3A_323, %reduce_sum3A_324 [1] : vector<256x2048xf32> to vector<256xf32>
    %broadcast_in_dim3A_326 = vector.shape_cast %reduce_sum3A_325 : vector<256xf32> to vector<256x1xf32>
    %max3A_327 = arith.constant 0.000000e+00 : f32
    %max3A_328 = vector.broadcast %max3A_327 : f32 to vector<256x1xf32>
    %max3A_329 = arith.maximumf %broadcast_in_dim3A_326, %max3A_328 : vector<256x1xf32>
    %sqrt3A_330 = math.sqrt %max3A_329 : vector<256x1xf32>
    %max3A_331 = arith.constant 1.000000e-10 : f32
    %max3A_332 = vector.broadcast %max3A_331 : f32 to vector<256x1xf32>
    %max3A_333 = arith.maximumf %sqrt3A_330, %max3A_332 : vector<256x1xf32>
    %div3A_334 = arith.constant 1.000000e+00 : f32
    %div3A_335 = vector.broadcast %div3A_334 : f32 to vector<256x1xf32>
    %div3A_336 = arith.divf %div3A_335, %max3A_333 : vector<256x1xf32>
    %mul3A_337 = arith.constant 2048 : i32
    %mul3A_338 = arith.muli %arg0, %mul3A_337 : i32
    %add3A_339 = vector.broadcast %mul3A_338 : i32 to vector<256x1xi32>
    %add3A_340 = arith.addi %and3A_317, %add3A_339 : vector<256x1xi32>
    %reduce_min3A_341 = arith.constant dense<2147483647> : vector<256xi32>
    %reduce_min3A_342 = vector.multi_reduction <minsi>, %select_n3A_320, %reduce_min3A_341 [1] : vector<256x2048xi32> to vector<256xi32>
    %broadcast_in_dim3A_343 = vector.shape_cast %reduce_min3A_342 : vector<256xi32> to vector<256x1xi32>
    %eq3A_344 = vector.broadcast %broadcast_in_dim3A_343 : vector<256x1xi32> to vector<256x2048xi32>
    %eq3A_345 = arith.cmpi eq, %select_n3A_320, %eq3A_344 : vector<256x2048xi32>
    %and3A_346 = arith.constant 2047 : i32
    %and3A_347 = vector.broadcast %and3A_346 : i32 to vector<256x1xi32>
    %and3A_348 = arith.andi %broadcast_in_dim3A_343, %and3A_347 : vector<256x1xi32>
    %jit3A_349 = arith.constant 2147483647 : i32
    %broadcast_in_dim3A_350 = vector.broadcast %jit3A_349 : i32 to vector<256x2048xi32>
    %select_n3A_351 = arith.select %eq3A_345, %broadcast_in_dim3A_350, %select_n3A_320 : vector<256x2048xi1>, vector<256x2048xi32>
    %jit3A_352 = arith.constant 0.000000e+00 : f32
    %broadcast_in_dim3A_353 = vector.broadcast %jit3A_352 : f32 to vector<256x2048xf32>
    %select_n3A_354 = arith.select %eq3A_345, %sub3A_61, %broadcast_in_dim3A_353 : vector<256x2048xi1>, vector<256x2048xf32>
    %reduce_sum3A_355 = arith.constant dense<0.000000e+00> : vector<256xf32>
    %reduce_sum3A_356 = vector.multi_reduction <add>, %select_n3A_354, %reduce_sum3A_355 [1] : vector<256x2048xf32> to vector<256xf32>
    %broadcast_in_dim3A_357 = vector.shape_cast %reduce_sum3A_356 : vector<256xf32> to vector<256x1xf32>
    %max3A_358 = arith.constant 0.000000e+00 : f32
    %max3A_359 = vector.broadcast %max3A_358 : f32 to vector<256x1xf32>
    %max3A_360 = arith.maximumf %broadcast_in_dim3A_357, %max3A_359 : vector<256x1xf32>
    %sqrt3A_361 = math.sqrt %max3A_360 : vector<256x1xf32>
    %max3A_362 = arith.constant 1.000000e-10 : f32
    %max3A_363 = vector.broadcast %max3A_362 : f32 to vector<256x1xf32>
    %max3A_364 = arith.maximumf %sqrt3A_361, %max3A_363 : vector<256x1xf32>
    %div3A_365 = arith.constant 1.000000e+00 : f32
    %div3A_366 = vector.broadcast %div3A_365 : f32 to vector<256x1xf32>
    %div3A_367 = arith.divf %div3A_366, %max3A_364 : vector<256x1xf32>
    %mul3A_368 = arith.constant 2048 : i32
    %mul3A_369 = arith.muli %arg0, %mul3A_368 : i32
    %add3A_370 = vector.broadcast %mul3A_369 : i32 to vector<256x1xi32>
    %add3A_371 = arith.addi %and3A_348, %add3A_370 : vector<256x1xi32>
    %reduce_min3A_372 = arith.constant dense<2147483647> : vector<256xi32>
    %reduce_min3A_373 = vector.multi_reduction <minsi>, %select_n3A_351, %reduce_min3A_372 [1] : vector<256x2048xi32> to vector<256xi32>
    %broadcast_in_dim3A_374 = vector.shape_cast %reduce_min3A_373 : vector<256xi32> to vector<256x1xi32>
    %eq3A_375 = vector.broadcast %broadcast_in_dim3A_374 : vector<256x1xi32> to vector<256x2048xi32>
    %eq3A_376 = arith.cmpi eq, %select_n3A_351, %eq3A_375 : vector<256x2048xi32>
    %and3A_377 = arith.constant 2047 : i32
    %and3A_378 = vector.broadcast %and3A_377 : i32 to vector<256x1xi32>
    %and3A_379 = arith.andi %broadcast_in_dim3A_374, %and3A_378 : vector<256x1xi32>
    %jit3A_380 = arith.constant 2147483647 : i32
    %broadcast_in_dim3A_381 = vector.broadcast %jit3A_380 : i32 to vector<256x2048xi32>
    %select_n3A_382 = arith.select %eq3A_376, %broadcast_in_dim3A_381, %select_n3A_351 : vector<256x2048xi1>, vector<256x2048xi32>
    %jit3A_383 = arith.constant 0.000000e+00 : f32
    %broadcast_in_dim3A_384 = vector.broadcast %jit3A_383 : f32 to vector<256x2048xf32>
    %select_n3A_385 = arith.select %eq3A_376, %sub3A_61, %broadcast_in_dim3A_384 : vector<256x2048xi1>, vector<256x2048xf32>
    %reduce_sum3A_386 = arith.constant dense<0.000000e+00> : vector<256xf32>
    %reduce_sum3A_387 = vector.multi_reduction <add>, %select_n3A_385, %reduce_sum3A_386 [1] : vector<256x2048xf32> to vector<256xf32>
    %broadcast_in_dim3A_388 = vector.shape_cast %reduce_sum3A_387 : vector<256xf32> to vector<256x1xf32>
    %max3A_389 = arith.constant 0.000000e+00 : f32
    %max3A_390 = vector.broadcast %max3A_389 : f32 to vector<256x1xf32>
    %max3A_391 = arith.maximumf %broadcast_in_dim3A_388, %max3A_390 : vector<256x1xf32>
    %sqrt3A_392 = math.sqrt %max3A_391 : vector<256x1xf32>
    %max3A_393 = arith.constant 1.000000e-10 : f32
    %max3A_394 = vector.broadcast %max3A_393 : f32 to vector<256x1xf32>
    %max3A_395 = arith.maximumf %sqrt3A_392, %max3A_394 : vector<256x1xf32>
    %div3A_396 = arith.constant 1.000000e+00 : f32
    %div3A_397 = vector.broadcast %div3A_396 : f32 to vector<256x1xf32>
    %div3A_398 = arith.divf %div3A_397, %max3A_395 : vector<256x1xf32>
    %mul3A_399 = arith.constant 2048 : i32
    %mul3A_400 = arith.muli %arg0, %mul3A_399 : i32
    %add3A_401 = vector.broadcast %mul3A_400 : i32 to vector<256x1xi32>
    %add3A_402 = arith.addi %and3A_379, %add3A_401 : vector<256x1xi32>
    %reduce_min3A_403 = arith.constant dense<2147483647> : vector<256xi32>
    %reduce_min3A_404 = vector.multi_reduction <minsi>, %select_n3A_382, %reduce_min3A_403 [1] : vector<256x2048xi32> to vector<256xi32>
    %broadcast_in_dim3A_405 = vector.shape_cast %reduce_min3A_404 : vector<256xi32> to vector<256x1xi32>
    %eq3A_406 = vector.broadcast %broadcast_in_dim3A_405 : vector<256x1xi32> to vector<256x2048xi32>
    %eq3A_407 = arith.cmpi eq, %select_n3A_382, %eq3A_406 : vector<256x2048xi32>
    %and3A_408 = arith.constant 2047 : i32
    %and3A_409 = vector.broadcast %and3A_408 : i32 to vector<256x1xi32>
    %and3A_410 = arith.andi %broadcast_in_dim3A_405, %and3A_409 : vector<256x1xi32>
    %jit3A_411 = arith.constant 2147483647 : i32
    %broadcast_in_dim3A_412 = vector.broadcast %jit3A_411 : i32 to vector<256x2048xi32>
    %select_n3A_413 = arith.select %eq3A_407, %broadcast_in_dim3A_412, %select_n3A_382 : vector<256x2048xi1>, vector<256x2048xi32>
    %jit3A_414 = arith.constant 0.000000e+00 : f32
    %broadcast_in_dim3A_415 = vector.broadcast %jit3A_414 : f32 to vector<256x2048xf32>
    %select_n3A_416 = arith.select %eq3A_407, %sub3A_61, %broadcast_in_dim3A_415 : vector<256x2048xi1>, vector<256x2048xf32>
    %reduce_sum3A_417 = arith.constant dense<0.000000e+00> : vector<256xf32>
    %reduce_sum3A_418 = vector.multi_reduction <add>, %select_n3A_416, %reduce_sum3A_417 [1] : vector<256x2048xf32> to vector<256xf32>
    %broadcast_in_dim3A_419 = vector.shape_cast %reduce_sum3A_418 : vector<256xf32> to vector<256x1xf32>
    %max3A_420 = arith.constant 0.000000e+00 : f32
    %max3A_421 = vector.broadcast %max3A_420 : f32 to vector<256x1xf32>
    %max3A_422 = arith.maximumf %broadcast_in_dim3A_419, %max3A_421 : vector<256x1xf32>
    %sqrt3A_423 = math.sqrt %max3A_422 : vector<256x1xf32>
    %max3A_424 = arith.constant 1.000000e-10 : f32
    %max3A_425 = vector.broadcast %max3A_424 : f32 to vector<256x1xf32>
    %max3A_426 = arith.maximumf %sqrt3A_423, %max3A_425 : vector<256x1xf32>
    %div3A_427 = arith.constant 1.000000e+00 : f32
    %div3A_428 = vector.broadcast %div3A_427 : f32 to vector<256x1xf32>
    %div3A_429 = arith.divf %div3A_428, %max3A_426 : vector<256x1xf32>
    %mul3A_430 = arith.constant 2048 : i32
    %mul3A_431 = arith.muli %arg0, %mul3A_430 : i32
    %add3A_432 = vector.broadcast %mul3A_431 : i32 to vector<256x1xi32>
    %add3A_433 = arith.addi %and3A_410, %add3A_432 : vector<256x1xi32>
    %reduce_min3A_434 = arith.constant dense<2147483647> : vector<256xi32>
    %reduce_min3A_435 = vector.multi_reduction <minsi>, %select_n3A_413, %reduce_min3A_434 [1] : vector<256x2048xi32> to vector<256xi32>
    %broadcast_in_dim3A_436 = vector.shape_cast %reduce_min3A_435 : vector<256xi32> to vector<256x1xi32>
    %eq3A_437 = vector.broadcast %broadcast_in_dim3A_436 : vector<256x1xi32> to vector<256x2048xi32>
    %eq3A_438 = arith.cmpi eq, %select_n3A_413, %eq3A_437 : vector<256x2048xi32>
    %and3A_439 = arith.constant 2047 : i32
    %and3A_440 = vector.broadcast %and3A_439 : i32 to vector<256x1xi32>
    %and3A_441 = arith.andi %broadcast_in_dim3A_436, %and3A_440 : vector<256x1xi32>
    %jit3A_442 = arith.constant 2147483647 : i32
    %broadcast_in_dim3A_443 = vector.broadcast %jit3A_442 : i32 to vector<256x2048xi32>
    %select_n3A_444 = arith.select %eq3A_438, %broadcast_in_dim3A_443, %select_n3A_413 : vector<256x2048xi1>, vector<256x2048xi32>
    %jit3A_445 = arith.constant 0.000000e+00 : f32
    %broadcast_in_dim3A_446 = vector.broadcast %jit3A_445 : f32 to vector<256x2048xf32>
    %select_n3A_447 = arith.select %eq3A_438, %sub3A_61, %broadcast_in_dim3A_446 : vector<256x2048xi1>, vector<256x2048xf32>
    %reduce_sum3A_448 = arith.constant dense<0.000000e+00> : vector<256xf32>
    %reduce_sum3A_449 = vector.multi_reduction <add>, %select_n3A_447, %reduce_sum3A_448 [1] : vector<256x2048xf32> to vector<256xf32>
    %broadcast_in_dim3A_450 = vector.shape_cast %reduce_sum3A_449 : vector<256xf32> to vector<256x1xf32>
    %max3A_451 = arith.constant 0.000000e+00 : f32
    %max3A_452 = vector.broadcast %max3A_451 : f32 to vector<256x1xf32>
    %max3A_453 = arith.maximumf %broadcast_in_dim3A_450, %max3A_452 : vector<256x1xf32>
    %sqrt3A_454 = math.sqrt %max3A_453 : vector<256x1xf32>
    %max3A_455 = arith.constant 1.000000e-10 : f32
    %max3A_456 = vector.broadcast %max3A_455 : f32 to vector<256x1xf32>
    %max3A_457 = arith.maximumf %sqrt3A_454, %max3A_456 : vector<256x1xf32>
    %div3A_458 = arith.constant 1.000000e+00 : f32
    %div3A_459 = vector.broadcast %div3A_458 : f32 to vector<256x1xf32>
    %div3A_460 = arith.divf %div3A_459, %max3A_457 : vector<256x1xf32>
    %mul3A_461 = arith.constant 2048 : i32
    %mul3A_462 = arith.muli %arg0, %mul3A_461 : i32
    %add3A_463 = vector.broadcast %mul3A_462 : i32 to vector<256x1xi32>
    %add3A_464 = arith.addi %and3A_441, %add3A_463 : vector<256x1xi32>
    %reduce_min3A_465 = arith.constant dense<2147483647> : vector<256xi32>
    %reduce_min3A_466 = vector.multi_reduction <minsi>, %select_n3A_444, %reduce_min3A_465 [1] : vector<256x2048xi32> to vector<256xi32>
    %broadcast_in_dim3A_467 = vector.shape_cast %reduce_min3A_466 : vector<256xi32> to vector<256x1xi32>
    %eq3A_468 = vector.broadcast %broadcast_in_dim3A_467 : vector<256x1xi32> to vector<256x2048xi32>
    %eq3A_469 = arith.cmpi eq, %select_n3A_444, %eq3A_468 : vector<256x2048xi32>
    %and3A_470 = arith.constant 2047 : i32
    %and3A_471 = vector.broadcast %and3A_470 : i32 to vector<256x1xi32>
    %and3A_472 = arith.andi %broadcast_in_dim3A_467, %and3A_471 : vector<256x1xi32>
    %jit3A_473 = arith.constant 2147483647 : i32
    %broadcast_in_dim3A_474 = vector.broadcast %jit3A_473 : i32 to vector<256x2048xi32>
    %select_n3A_475 = arith.select %eq3A_469, %broadcast_in_dim3A_474, %select_n3A_444 : vector<256x2048xi1>, vector<256x2048xi32>
    %jit3A_476 = arith.constant 0.000000e+00 : f32
    %broadcast_in_dim3A_477 = vector.broadcast %jit3A_476 : f32 to vector<256x2048xf32>
    %select_n3A_478 = arith.select %eq3A_469, %sub3A_61, %broadcast_in_dim3A_477 : vector<256x2048xi1>, vector<256x2048xf32>
    %reduce_sum3A_479 = arith.constant dense<0.000000e+00> : vector<256xf32>
    %reduce_sum3A_480 = vector.multi_reduction <add>, %select_n3A_478, %reduce_sum3A_479 [1] : vector<256x2048xf32> to vector<256xf32>
    %broadcast_in_dim3A_481 = vector.shape_cast %reduce_sum3A_480 : vector<256xf32> to vector<256x1xf32>
    %max3A_482 = arith.constant 0.000000e+00 : f32
    %max3A_483 = vector.broadcast %max3A_482 : f32 to vector<256x1xf32>
    %max3A_484 = arith.maximumf %broadcast_in_dim3A_481, %max3A_483 : vector<256x1xf32>
    %sqrt3A_485 = math.sqrt %max3A_484 : vector<256x1xf32>
    %max3A_486 = arith.constant 1.000000e-10 : f32
    %max3A_487 = vector.broadcast %max3A_486 : f32 to vector<256x1xf32>
    %max3A_488 = arith.maximumf %sqrt3A_485, %max3A_487 : vector<256x1xf32>
    %div3A_489 = arith.constant 1.000000e+00 : f32
    %div3A_490 = vector.broadcast %div3A_489 : f32 to vector<256x1xf32>
    %div3A_491 = arith.divf %div3A_490, %max3A_488 : vector<256x1xf32>
    %mul3A_492 = arith.constant 2048 : i32
    %mul3A_493 = arith.muli %arg0, %mul3A_492 : i32
    %add3A_494 = vector.broadcast %mul3A_493 : i32 to vector<256x1xi32>
    %add3A_495 = arith.addi %and3A_472, %add3A_494 : vector<256x1xi32>
    %reduce_min3A_496 = arith.constant dense<2147483647> : vector<256xi32>
    %reduce_min3A_497 = vector.multi_reduction <minsi>, %select_n3A_475, %reduce_min3A_496 [1] : vector<256x2048xi32> to vector<256xi32>
    %broadcast_in_dim3A_498 = vector.shape_cast %reduce_min3A_497 : vector<256xi32> to vector<256x1xi32>
    %eq3A_499 = vector.broadcast %broadcast_in_dim3A_498 : vector<256x1xi32> to vector<256x2048xi32>
    %eq3A_500 = arith.cmpi eq, %select_n3A_475, %eq3A_499 : vector<256x2048xi32>
    %and3A_501 = arith.constant 2047 : i32
    %and3A_502 = vector.broadcast %and3A_501 : i32 to vector<256x1xi32>
    %and3A_503 = arith.andi %broadcast_in_dim3A_498, %and3A_502 : vector<256x1xi32>
    %jit3A_504 = arith.constant 2147483647 : i32
    %broadcast_in_dim3A_505 = vector.broadcast %jit3A_504 : i32 to vector<256x2048xi32>
    %select_n3A_506 = arith.select %eq3A_500, %broadcast_in_dim3A_505, %select_n3A_475 : vector<256x2048xi1>, vector<256x2048xi32>
    %jit3A_507 = arith.constant 0.000000e+00 : f32
    %broadcast_in_dim3A_508 = vector.broadcast %jit3A_507 : f32 to vector<256x2048xf32>
    %select_n3A_509 = arith.select %eq3A_500, %sub3A_61, %broadcast_in_dim3A_508 : vector<256x2048xi1>, vector<256x2048xf32>
    %reduce_sum3A_510 = arith.constant dense<0.000000e+00> : vector<256xf32>
    %reduce_sum3A_511 = vector.multi_reduction <add>, %select_n3A_509, %reduce_sum3A_510 [1] : vector<256x2048xf32> to vector<256xf32>
    %broadcast_in_dim3A_512 = vector.shape_cast %reduce_sum3A_511 : vector<256xf32> to vector<256x1xf32>
    %max3A_513 = arith.constant 0.000000e+00 : f32
    %max3A_514 = vector.broadcast %max3A_513 : f32 to vector<256x1xf32>
    %max3A_515 = arith.maximumf %broadcast_in_dim3A_512, %max3A_514 : vector<256x1xf32>
    %sqrt3A_516 = math.sqrt %max3A_515 : vector<256x1xf32>
    %max3A_517 = arith.constant 1.000000e-10 : f32
    %max3A_518 = vector.broadcast %max3A_517 : f32 to vector<256x1xf32>
    %max3A_519 = arith.maximumf %sqrt3A_516, %max3A_518 : vector<256x1xf32>
    %div3A_520 = arith.constant 1.000000e+00 : f32
    %div3A_521 = vector.broadcast %div3A_520 : f32 to vector<256x1xf32>
    %div3A_522 = arith.divf %div3A_521, %max3A_519 : vector<256x1xf32>
    %mul3A_523 = arith.constant 2048 : i32
    %mul3A_524 = arith.muli %arg0, %mul3A_523 : i32
    %add3A_525 = vector.broadcast %mul3A_524 : i32 to vector<256x1xi32>
    %add3A_526 = arith.addi %and3A_503, %add3A_525 : vector<256x1xi32>
    %reduce_min3A_527 = arith.constant dense<2147483647> : vector<256xi32>
    %reduce_min3A_528 = vector.multi_reduction <minsi>, %select_n3A_506, %reduce_min3A_527 [1] : vector<256x2048xi32> to vector<256xi32>
    %broadcast_in_dim3A_529 = vector.shape_cast %reduce_min3A_528 : vector<256xi32> to vector<256x1xi32>
    %eq3A_530 = vector.broadcast %broadcast_in_dim3A_529 : vector<256x1xi32> to vector<256x2048xi32>
    %eq3A_531 = arith.cmpi eq, %select_n3A_506, %eq3A_530 : vector<256x2048xi32>
    %and3A_532 = arith.constant 2047 : i32
    %and3A_533 = vector.broadcast %and3A_532 : i32 to vector<256x1xi32>
    %and3A_534 = arith.andi %broadcast_in_dim3A_529, %and3A_533 : vector<256x1xi32>
    %jit3A_535 = arith.constant 0.000000e+00 : f32
    %broadcast_in_dim3A_536 = vector.broadcast %jit3A_535 : f32 to vector<256x2048xf32>
    %select_n3A_537 = arith.select %eq3A_531, %sub3A_61, %broadcast_in_dim3A_536 : vector<256x2048xi1>, vector<256x2048xf32>
    %reduce_sum3A_538 = arith.constant dense<0.000000e+00> : vector<256xf32>
    %reduce_sum3A_539 = vector.multi_reduction <add>, %select_n3A_537, %reduce_sum3A_538 [1] : vector<256x2048xf32> to vector<256xf32>
    %broadcast_in_dim3A_540 = vector.shape_cast %reduce_sum3A_539 : vector<256xf32> to vector<256x1xf32>
    %max3A_541 = arith.constant 0.000000e+00 : f32
    %max3A_542 = vector.broadcast %max3A_541 : f32 to vector<256x1xf32>
    %max3A_543 = arith.maximumf %broadcast_in_dim3A_540, %max3A_542 : vector<256x1xf32>
    %sqrt3A_544 = math.sqrt %max3A_543 : vector<256x1xf32>
    %max3A_545 = arith.constant 1.000000e-10 : f32
    %max3A_546 = vector.broadcast %max3A_545 : f32 to vector<256x1xf32>
    %max3A_547 = arith.maximumf %sqrt3A_544, %max3A_546 : vector<256x1xf32>
    %div3A_548 = arith.constant 1.000000e+00 : f32
    %div3A_549 = vector.broadcast %div3A_548 : f32 to vector<256x1xf32>
    %div3A_550 = arith.divf %div3A_549, %max3A_547 : vector<256x1xf32>
    %mul3A_551 = arith.constant 2048 : i32
    %mul3A_552 = arith.muli %arg0, %mul3A_551 : i32
    %add3A_553 = vector.broadcast %mul3A_552 : i32 to vector<256x1xi32>
    %add3A_554 = arith.addi %and3A_534, %add3A_553 : vector<256x1xi32>
    %concatenate3A = tpu.concatenate %div3A_88, %div3A_119, %div3A_150, %div3A_181, %div3A_212, %div3A_243, %div3A_274, %div3A_305, %div3A_336, %div3A_367, %div3A_398, %div3A_429, %div3A_460, %div3A_491, %div3A_522, %div3A_550 in 1 : vector<256x1xf32>, vector<256x1xf32>, vector<256x1xf32>, vector<256x1xf32>, vector<256x1xf32>, vector<256x1xf32>, vector<256x1xf32>, vector<256x1xf32>, vector<256x1xf32>, vector<256x1xf32>, vector<256x1xf32>, vector<256x1xf32>, vector<256x1xf32>, vector<256x1xf32>, vector<256x1xf32>, vector<256x1xf32> -> vector<256x16xf32>
    %concatenate3A_555 = tpu.concatenate %add3A_92, %add3A_123, %add3A_154, %add3A_185, %add3A_216, %add3A_247, %add3A_278, %add3A_309, %add3A_340, %add3A_371, %add3A_402, %add3A_433, %add3A_464, %add3A_495, %add3A_526, %add3A_554 in 1 : vector<256x1xi32>, vector<256x1xi32>, vector<256x1xi32>, vector<256x1xi32>, vector<256x1xi32>, vector<256x1xi32>, vector<256x1xi32>, vector<256x1xi32>, vector<256x1xi32>, vector<256x1xi32>, vector<256x1xi32>, vector<256x1xi32>, vector<256x1xi32>, vector<256x1xi32>, vector<256x1xi32>, vector<256x1xi32> -> vector<256x16xi32>
    %swap3A = arith.constant 0 : index
    %swap3A_556 = arith.constant 0 : index
    %swap3A_557 = arith.constant 0 : index
    %swap3A_558 = vector.load %arg4[%swap3A, %swap3A_556, %swap3A_557] : memref<1x256x16xi32, #tpu.memory_space<vmem>>, vector<1x256x16xi32>
    %swap3A_559 = vector.shape_cast %swap3A_558 : vector<1x256x16xi32> to vector<256x16xi32>
    %swap3A_560 = vector.shape_cast %concatenate3A_555 : vector<256x16xi32> to vector<1x256x16xi32>
    tpu.vector_store %arg4[%swap3A, %swap3A_556, %swap3A_557], %swap3A_560 {strides = array<i32>} : memref<1x256x16xi32, #tpu.memory_space<vmem>>, vector<1x256x16xi32>,
    %reduce_sum3A_561 = arith.constant dense<0.000000e+00> : vector<256xf32>
    %reduce_sum3A_562 = vector.multi_reduction <add>, %concatenate3A, %reduce_sum3A_561 [1] : vector<256x16xf32> to vector<256xf32>
    %broadcast_in_dim3A_563 = vector.shape_cast %reduce_sum3A_562 : vector<256xf32> to vector<256x1xf32>
    %div3A_564 = vector.broadcast %broadcast_in_dim3A_563 : vector<256x1xf32> to vector<256x16xf32>
    %div3A_565 = arith.divf %concatenate3A, %div3A_564 : vector<256x16xf32>
    %swap3A_566 = arith.constant 0 : index
    %swap3A_567 = arith.constant 0 : index
    %swap3A_568 = arith.constant 0 : index
    %swap3A_569 = vector.load %arg5[%swap3A_566, %swap3A_567, %swap3A_568] : memref<1x256x16xf32, #tpu.memory_space<vmem>>, vector<1x256x16xf32>
    %swap3A_570 = vector.shape_cast %swap3A_569 : vector<1x256x16xf32> to vector<256x16xf32>
    %swap3A_571 = vector.shape_cast %div3A_565 : vector<256x16xf32> to vector<1x256x16xf32>
    tpu.vector_store %arg5[%swap3A_566, %swap3A_567, %swap3A_568], %swap3A_571 {strides = array<i32>} : memref<1x256x16xf32, #tpu.memory_space<vmem>>, vector<1x256x16xf32>,
    return
  }
  func.func @transform_0(%arg0: i32, %arg1: i32) -> (i32, i32, i32) {
    %c0_i32 = arith.constant 0 : i32
    %c0_i32_0 = arith.constant 0 : i32
    return %arg0, %arg1, %c0_i32 : i32, i32, i32
  }
  func.func @transform_1(%arg0: i32, %arg1: i32) -> (i32, i32, i32) {
    %c0_i32 = arith.constant 0 : i32
    %c0_i32_0 = arith.constant 0 : i32
    %c0_i32_1 = arith.constant 0 : i32
    return %arg0, %c0_i32, %c0_i32_0 : i32, i32, i32
  }
  func.func @transform_2(%arg0: i32, %arg1: i32) -> (i32, i32, i32) {
    %c0_i32 = arith.constant 0 : i32
    %c0_i32_0 = arith.constant 0 : i32
    return %arg0, %arg1, %c0_i32 : i32, i32, i32
  }
  func.func @transform_3(%arg0: i32, %arg1: i32) -> (i32, i32, i32) {
    %c0_i32 = arith.constant 0 : i32
    %c0_i32_0 = arith.constant 0 : i32
    return %arg0, %arg1, %c0_i32 : i32, i32, i32
  }
}

module attributes {stable_mosaic.version = 14 : i64} {
  func.func @_z_kernel(%arg0: i32, %arg1: memref<1x2048x64xf32, #tpu.memory_space<vmem>>, %arg2: memref<1x2048x3xf32, #tpu.memory_space<vmem>>, %arg3: memref<64x128xf32, #tpu.memory_space<vmem>>, %arg4: memref<3x128xf32, #tpu.memory_space<vmem>>, %arg5: memref<1x2048x128xf32, #tpu.memory_space<vmem>>) attributes {dimension_semantics = [#tpu.dimension_semantics<arbitrary>], iteration_bounds = array<i64: 2>, scalar_prefetch = 0 : i64, scratch_operands = 0 : i64, tpu.core_type = #tpu.core_type<tc>, window_params = [{transform_indices = @transform_0, window_bounds = array<i64: 1, 2048, 64>}, {transform_indices = @transform_1, window_bounds = array<i64: 1, 2048, 3>}, {pipeline_mode = #tpu.pipeline_mode<synchronous>, transform_indices = @transform_2, window_bounds = array<i64: 64, 128>}, {pipeline_mode = #tpu.pipeline_mode<synchronous>, transform_indices = @transform_3, window_bounds = array<i64: 3, 128>}, {transform_indices = @transform_4, window_bounds = array<i64: 1, 2048, 128>}]} {
    %get3A = arith.constant 0 : index
    %get3A_0 = arith.constant 0 : index
    %get3A_1 = arith.constant 0 : index
    %get3A_2 = vector.load %arg2[%get3A, %get3A_0, %get3A_1] : memref<1x2048x3xf32, #tpu.memory_space<vmem>>, vector<1x2048x3xf32>
    %get3A_3 = vector.shape_cast %get3A_2 : vector<1x2048x3xf32> to vector<2048x3xf32>
    %get3A_4 = arith.constant 0 : index
    %get3A_5 = arith.constant 0 : index
    %get3A_6 = vector.load %arg4[%get3A_4, %get3A_5] : memref<3x128xf32, #tpu.memory_space<vmem>>, vector<3x128xf32>
    %slice3A = vector.extract_strided_slice %get3A_3 {offsets = [0, 0], sizes = [2048, 1], strides = [1, 1]} : vector<2048x3xf32> to vector<2048x1xf32>
    %slice3A_7 = vector.extract_strided_slice %get3A_6 {offsets = [0, 0], sizes = [1, 128], strides = [1, 1]} : vector<3x128xf32> to vector<1x128xf32>
    %mul3A = vector.broadcast %slice3A : vector<2048x1xf32> to vector<2048x128xf32>
    %mul3A_8 = vector.broadcast %slice3A_7 : vector<1x128xf32> to vector<2048x128xf32>
    %mul3A_9 = arith.mulf %mul3A, %mul3A_8 : vector<2048x128xf32>
    %slice3A_10 = vector.extract_strided_slice %get3A_3 {offsets = [0, 1], sizes = [2048, 1], strides = [1, 1]} : vector<2048x3xf32> to vector<2048x1xf32>
    %slice3A_11 = vector.extract_strided_slice %get3A_6 {offsets = [1, 0], sizes = [1, 128], strides = [1, 1]} : vector<3x128xf32> to vector<1x128xf32>
    %mul3A_12 = vector.broadcast %slice3A_10 : vector<2048x1xf32> to vector<2048x128xf32>
    %mul3A_13 = vector.broadcast %slice3A_11 : vector<1x128xf32> to vector<2048x128xf32>
    %mul3A_14 = arith.mulf %mul3A_12, %mul3A_13 : vector<2048x128xf32>
    %add3A = arith.addf %mul3A_9, %mul3A_14 : vector<2048x128xf32>
    %slice3A_15 = vector.extract_strided_slice %get3A_3 {offsets = [0, 2], sizes = [2048, 1], strides = [1, 1]} : vector<2048x3xf32> to vector<2048x1xf32>
    %slice3A_16 = vector.extract_strided_slice %get3A_6 {offsets = [2, 0], sizes = [1, 128], strides = [1, 1]} : vector<3x128xf32> to vector<1x128xf32>
    %mul3A_17 = vector.broadcast %slice3A_15 : vector<2048x1xf32> to vector<2048x128xf32>
    %mul3A_18 = vector.broadcast %slice3A_16 : vector<1x128xf32> to vector<2048x128xf32>
    %mul3A_19 = arith.mulf %mul3A_17, %mul3A_18 : vector<2048x128xf32>
    %add3A_20 = arith.addf %add3A, %mul3A_19 : vector<2048x128xf32>
    %get3A_21 = arith.constant 0 : index
    %get3A_22 = arith.constant 0 : index
    %get3A_23 = arith.constant 0 : index
    %get3A_24 = vector.load %arg1[%get3A_21, %get3A_22, %get3A_23] : memref<1x2048x64xf32, #tpu.memory_space<vmem>>, vector<1x2048x64xf32>
    %get3A_25 = vector.shape_cast %get3A_24 : vector<1x2048x64xf32> to vector<2048x64xf32>
    %get3A_26 = arith.constant 0 : index
    %get3A_27 = arith.constant 0 : index
    %get3A_28 = vector.load %arg3[%get3A_26, %get3A_27] : memref<64x128xf32, #tpu.memory_space<vmem>>, vector<64x128xf32>
    %dot_general3A = arith.constant dense<0.000000e+00> : vector<2048x128xf32>
    %dot_general3A_29 = tpu.matmul %get3A_25, %get3A_28, %dot_general3A {dimension_numbers = #tpu.dot_dimension_numbers<[1], [0], [0], [1], [0, 0, 1, 1], [], []>, precision = #tpu.contract_precision<fp32>, transpose_lhs_hint = false} : vector<2048x64xf32>, vector<64x128xf32>, vector<2048x128xf32> -> vector<2048x128xf32>
    %add3A_30 = arith.addf %dot_general3A_29, %add3A_20 : vector<2048x128xf32>
    %swap3A = arith.constant 0 : index
    %swap3A_31 = arith.constant 0 : index
    %swap3A_32 = arith.constant 0 : index
    %swap3A_33 = vector.load %arg5[%swap3A, %swap3A_31, %swap3A_32] : memref<1x2048x128xf32, #tpu.memory_space<vmem>>, vector<1x2048x128xf32>
    %swap3A_34 = vector.shape_cast %swap3A_33 : vector<1x2048x128xf32> to vector<2048x128xf32>
    %swap3A_35 = vector.shape_cast %add3A_30 : vector<2048x128xf32> to vector<1x2048x128xf32>
    tpu.vector_store %arg5[%swap3A, %swap3A_31, %swap3A_32], %swap3A_35 {strides = array<i32>} : memref<1x2048x128xf32, #tpu.memory_space<vmem>>, vector<1x2048x128xf32>,
    return
  }
  func.func @transform_0(%arg0: i32) -> (i32, i32, i32) {
    %c0_i32 = arith.constant 0 : i32
    %c0_i32_0 = arith.constant 0 : i32
    %c0_i32_1 = arith.constant 0 : i32
    return %arg0, %c0_i32, %c0_i32_0 : i32, i32, i32
  }
  func.func @transform_1(%arg0: i32) -> (i32, i32, i32) {
    %c0_i32 = arith.constant 0 : i32
    %c0_i32_0 = arith.constant 0 : i32
    %c0_i32_1 = arith.constant 0 : i32
    return %arg0, %c0_i32, %c0_i32_0 : i32, i32, i32
  }
  func.func @transform_2(%arg0: i32) -> (i32, i32) {
    %c0_i32 = arith.constant 0 : i32
    %c0_i32_0 = arith.constant 0 : i32
    %c0_i32_1 = arith.constant 0 : i32
    return %c0_i32, %c0_i32_0 : i32, i32
  }
  func.func @transform_3(%arg0: i32) -> (i32, i32) {
    %c0_i32 = arith.constant 0 : i32
    %c0_i32_0 = arith.constant 0 : i32
    %c0_i32_1 = arith.constant 0 : i32
    return %c0_i32, %c0_i32_0 : i32, i32
  }
  func.func @transform_4(%arg0: i32) -> (i32, i32, i32) {
    %c0_i32 = arith.constant 0 : i32
    %c0_i32_0 = arith.constant 0 : i32
    %c0_i32_1 = arith.constant 0 : i32
    return %arg0, %c0_i32, %c0_i32_0 : i32, i32, i32
  }
}

module attributes {stable_mosaic.version = 14 : i64} {
  func.func @_mlp_kernel(%arg0: i32, %arg1: i32, %arg2: memref<1x2048x128xf32, #tpu.memory_space<vmem>>, %arg3: memref<1x128x3xf32, #tpu.memory_space<vmem>>, %arg4: memref<1x128x64xf32, #tpu.memory_space<vmem>>, %arg5: memref<64x128xf32, #tpu.memory_space<vmem>>, %arg6: memref<3x128xf32, #tpu.memory_space<vmem>>, %arg7: memref<1x128xf32, #tpu.memory_space<vmem>>, %arg8: memref<128x128xf32, #tpu.memory_space<vmem>>, %arg9: memref<1x128xf32, #tpu.memory_space<vmem>>, %arg10: memref<1x128x16xf32, #tpu.memory_space<vmem>>, %arg11: memref<1x128x128xf32, #tpu.memory_space<vmem>>) attributes {dimension_semantics = [#tpu.dimension_semantics<arbitrary>, #tpu.dimension_semantics<arbitrary>], iteration_bounds = array<i64: 2, 8>, scalar_prefetch = 0 : i64, scratch_operands = 0 : i64, tpu.core_type = #tpu.core_type<tc>, window_params = [{transform_indices = @transform_0, window_bounds = array<i64: 1, 2048, 128>}, {transform_indices = @transform_1, window_bounds = array<i64: 1, 128, 3>}, {transform_indices = @transform_2, window_bounds = array<i64: 1, 128, 64>}, {pipeline_mode = #tpu.pipeline_mode<synchronous>, transform_indices = @transform_3, window_bounds = array<i64: 64, 128>}, {pipeline_mode = #tpu.pipeline_mode<synchronous>, transform_indices = @transform_4, window_bounds = array<i64: 3, 128>}, {pipeline_mode = #tpu.pipeline_mode<synchronous>, transform_indices = @transform_5, window_bounds = array<i64: 1, 128>}, {pipeline_mode = #tpu.pipeline_mode<synchronous>, transform_indices = @transform_6, window_bounds = array<i64: 128, 128>}, {pipeline_mode = #tpu.pipeline_mode<synchronous>, transform_indices = @transform_7, window_bounds = array<i64: 1, 128>}, {transform_indices = @transform_8, window_bounds = array<i64: 1, 128, 16>}, {transform_indices = @transform_9, window_bounds = array<i64: 1, 128, 128>}]} {
    %get3A = arith.constant 0 : index
    %get3A_0 = arith.constant 0 : index
    %get3A_1 = arith.constant 0 : index
    %get3A_2 = vector.load %arg3[%get3A, %get3A_0, %get3A_1] : memref<1x128x3xf32, #tpu.memory_space<vmem>>, vector<1x128x3xf32>
    %get3A_3 = vector.shape_cast %get3A_2 : vector<1x128x3xf32> to vector<128x3xf32>
    %get3A_4 = arith.constant 0 : index
    %get3A_5 = arith.constant 0 : index
    %get3A_6 = arith.constant 0 : index
    %get3A_7 = vector.load %arg4[%get3A_4, %get3A_5, %get3A_6] : memref<1x128x64xf32, #tpu.memory_space<vmem>>, vector<1x128x64xf32>
    %get3A_8 = vector.shape_cast %get3A_7 : vector<1x128x64xf32> to vector<128x64xf32>
    %get3A_9 = arith.constant 0 : index
    %get3A_10 = arith.constant 0 : index
    %get3A_11 = vector.load %arg6[%get3A_9, %get3A_10] : memref<3x128xf32, #tpu.memory_space<vmem>>, vector<3x128xf32>
    %slice3A = vector.extract_strided_slice %get3A_3 {offsets = [0, 0], sizes = [128, 1], strides = [1, 1]} : vector<128x3xf32> to vector<128x1xf32>
    %slice3A_12 = vector.extract_strided_slice %get3A_11 {offsets = [0, 0], sizes = [1, 128], strides = [1, 1]} : vector<3x128xf32> to vector<1x128xf32>
    %mul3A = vector.broadcast %slice3A : vector<128x1xf32> to vector<128x128xf32>
    %mul3A_13 = vector.broadcast %slice3A_12 : vector<1x128xf32> to vector<128x128xf32>
    %mul3A_14 = arith.mulf %mul3A, %mul3A_13 : vector<128x128xf32>
    %slice3A_15 = vector.extract_strided_slice %get3A_3 {offsets = [0, 1], sizes = [128, 1], strides = [1, 1]} : vector<128x3xf32> to vector<128x1xf32>
    %slice3A_16 = vector.extract_strided_slice %get3A_11 {offsets = [1, 0], sizes = [1, 128], strides = [1, 1]} : vector<3x128xf32> to vector<1x128xf32>
    %mul3A_17 = vector.broadcast %slice3A_15 : vector<128x1xf32> to vector<128x128xf32>
    %mul3A_18 = vector.broadcast %slice3A_16 : vector<1x128xf32> to vector<128x128xf32>
    %mul3A_19 = arith.mulf %mul3A_17, %mul3A_18 : vector<128x128xf32>
    %add3A = arith.addf %mul3A_14, %mul3A_19 : vector<128x128xf32>
    %slice3A_20 = vector.extract_strided_slice %get3A_3 {offsets = [0, 2], sizes = [128, 1], strides = [1, 1]} : vector<128x3xf32> to vector<128x1xf32>
    %slice3A_21 = vector.extract_strided_slice %get3A_11 {offsets = [2, 0], sizes = [1, 128], strides = [1, 1]} : vector<3x128xf32> to vector<1x128xf32>
    %mul3A_22 = vector.broadcast %slice3A_20 : vector<128x1xf32> to vector<128x128xf32>
    %mul3A_23 = vector.broadcast %slice3A_21 : vector<1x128xf32> to vector<128x128xf32>
    %mul3A_24 = arith.mulf %mul3A_22, %mul3A_23 : vector<128x128xf32>
    %add3A_25 = arith.addf %add3A, %mul3A_24 : vector<128x128xf32>
    %get3A_26 = arith.constant 0 : index
    %get3A_27 = arith.constant 0 : index
    %get3A_28 = vector.load %arg5[%get3A_26, %get3A_27] : memref<64x128xf32, #tpu.memory_space<vmem>>, vector<64x128xf32>
    %dot_general3A = arith.constant dense<0.000000e+00> : vector<128x128xf32>
    %dot_general3A_29 = tpu.matmul %get3A_8, %get3A_28, %dot_general3A {dimension_numbers = #tpu.dot_dimension_numbers<[1], [0], [0], [1], [0, 0, 1, 1], [], []>, precision = #tpu.contract_precision<fp32>, transpose_lhs_hint = false} : vector<128x64xf32>, vector<64x128xf32>, vector<128x128xf32> -> vector<128x128xf32>
    %sub3A = arith.subf %dot_general3A_29, %add3A_25 : vector<128x128xf32>
    %get3A_30 = arith.constant 0 : index
    %get3A_31 = arith.constant 0 : index
    %get3A_32 = vector.load %arg7[%get3A_30, %get3A_31] : memref<1x128xf32, #tpu.memory_space<vmem>>, vector<1x128xf32>
    %add3A_33 = vector.broadcast %get3A_32 : vector<1x128xf32> to vector<128x128xf32>
    %add3A_34 = arith.addf %sub3A, %add3A_33 : vector<128x128xf32>
    %broadcast_in_dim3A = vector.shape_cast %add3A_34 : vector<128x128xf32> to vector<128x1x128xf32>
    %broadcast_in_dim3A_35 = vector.shape_cast %broadcast_in_dim3A : vector<128x1x128xf32> to vector<128x1x128xf32>
    %broadcast_in_dim3A_36 = vector.broadcast %broadcast_in_dim3A_35 : vector<128x1x128xf32> to vector<128x16x128xf32>
    %reshape3A = vector.shape_cast %broadcast_in_dim3A_36 : vector<128x16x128xf32> to vector<2048x128xf32>
    %get3A_37 = arith.constant 0 : index
    %get3A_38 = arith.constant 0 : index
    %get3A_39 = arith.constant 0 : index
    %get3A_40 = vector.load %arg2[%get3A_37, %get3A_38, %get3A_39] : memref<1x2048x128xf32, #tpu.memory_space<vmem>>, vector<1x2048x128xf32>
    %get3A_41 = vector.shape_cast %get3A_40 : vector<1x2048x128xf32> to vector<2048x128xf32>
    %add3A_42 = arith.addf %get3A_41, %reshape3A : vector<2048x128xf32>
    %ge3A = arith.constant 0.000000e+00 : f32
    %ge3A_43 = vector.broadcast %ge3A : f32 to vector<2048x128xf32>
    %ge3A_44 = arith.cmpf oge, %add3A_42, %ge3A_43 : vector<2048x128xf32>
    %mul3A_45 = arith.constant 1.000000e-01 : f32
    %mul3A_46 = vector.broadcast %mul3A_45 : f32 to vector<2048x128xf32>
    %mul3A_47 = arith.mulf %mul3A_46, %add3A_42 : vector<2048x128xf32>
    %select_n3A = arith.select %ge3A_44, %add3A_42, %mul3A_47 : vector<2048x128xi1>, vector<2048x128xf32>
    %get3A_48 = arith.constant 0 : index
    %get3A_49 = arith.constant 0 : index
    %get3A_50 = vector.load %arg8[%get3A_48, %get3A_49] : memref<128x128xf32, #tpu.memory_space<vmem>>, vector<128x128xf32>
    %dot_general3A_51 = arith.constant dense<0.000000e+00> : vector<2048x128xf32>
    %dot_general3A_52 = tpu.matmul %select_n3A, %get3A_50, %dot_general3A_51 {dimension_numbers = #tpu.dot_dimension_numbers<[1], [0], [0], [1], [0, 0, 1, 1], [], []>, precision = #tpu.contract_precision<fp32>, transpose_lhs_hint = false} : vector<2048x128xf32>, vector<128x128xf32>, vector<2048x128xf32> -> vector<2048x128xf32>
    %get3A_53 = arith.constant 0 : index
    %get3A_54 = arith.constant 0 : index
    %get3A_55 = vector.load %arg9[%get3A_53, %get3A_54] : memref<1x128xf32, #tpu.memory_space<vmem>>, vector<1x128xf32>
    %add3A_56 = vector.broadcast %get3A_55 : vector<1x128xf32> to vector<2048x128xf32>
    %add3A_57 = arith.addf %dot_general3A_52, %add3A_56 : vector<2048x128xf32>
    %ge3A_58 = arith.constant 0.000000e+00 : f32
    %ge3A_59 = vector.broadcast %ge3A_58 : f32 to vector<2048x128xf32>
    %ge3A_60 = arith.cmpf oge, %add3A_57, %ge3A_59 : vector<2048x128xf32>
    %mul3A_61 = arith.constant 1.000000e-01 : f32
    %mul3A_62 = vector.broadcast %mul3A_61 : f32 to vector<2048x128xf32>
    %mul3A_63 = arith.mulf %mul3A_62, %add3A_57 : vector<2048x128xf32>
    %select_n3A_64 = arith.select %ge3A_60, %add3A_57, %mul3A_63 : vector<2048x128xi1>, vector<2048x128xf32>
    %reshape3A_65 = vector.shape_cast %select_n3A_64 : vector<2048x128xf32> to vector<128x16x128xf32>
    %get3A_66 = arith.constant 0 : index
    %get3A_67 = arith.constant 0 : index
    %get3A_68 = arith.constant 0 : index
    %get3A_69 = vector.load %arg10[%get3A_66, %get3A_67, %get3A_68] : memref<1x128x16xf32, #tpu.memory_space<vmem>>, vector<1x128x16xf32>
    %get3A_70 = vector.shape_cast %get3A_69 : vector<1x128x16xf32> to vector<128x16xf32>
    %broadcast_in_dim3A_71 = vector.shape_cast %get3A_70 : vector<128x16xf32> to vector<128x16x1xf32>
    %mul3A_72 = vector.broadcast %broadcast_in_dim3A_71 : vector<128x16x1xf32> to vector<128x16x128xf32>
    %mul3A_73 = arith.mulf %mul3A_72, %reshape3A_65 : vector<128x16x128xf32>
    %reduce_sum3A = arith.constant dense<0.000000e+00> : vector<128x128xf32>
    %reduce_sum3A_74 = vector.multi_reduction <add>, %mul3A_73, %reduce_sum3A [1] : vector<128x16x128xf32> to vector<128x128xf32>
    %swap3A = arith.constant 0 : index
    %swap3A_75 = arith.constant 0 : index
    %swap3A_76 = arith.constant 0 : index
    %swap3A_77 = vector.load %arg11[%swap3A, %swap3A_75, %swap3A_76] : memref<1x128x128xf32, #tpu.memory_space<vmem>>, vector<1x128x128xf32>
    %swap3A_78 = vector.shape_cast %swap3A_77 : vector<1x128x128xf32> to vector<128x128xf32>
    %swap3A_79 = vector.shape_cast %reduce_sum3A_74 : vector<128x128xf32> to vector<1x128x128xf32>
    tpu.vector_store %arg11[%swap3A, %swap3A_75, %swap3A_76], %swap3A_79 {strides = array<i32>} : memref<1x128x128xf32, #tpu.memory_space<vmem>>, vector<1x128x128xf32>,
    return
  }
  func.func @transform_0(%arg0: i32, %arg1: i32) -> (i32, i32, i32) {
    %c0_i32 = arith.constant 0 : i32
    %c0_i32_0 = arith.constant 0 : i32
    return %arg0, %arg1, %c0_i32 : i32, i32, i32
  }
  func.func @transform_1(%arg0: i32, %arg1: i32) -> (i32, i32, i32) {
    %c0_i32 = arith.constant 0 : i32
    %c0_i32_0 = arith.constant 0 : i32
    return %arg0, %arg1, %c0_i32 : i32, i32, i32
  }
  func.func @transform_2(%arg0: i32, %arg1: i32) -> (i32, i32, i32) {
    %c0_i32 = arith.constant 0 : i32
    %c0_i32_0 = arith.constant 0 : i32
    return %arg0, %arg1, %c0_i32 : i32, i32, i32
  }
  func.func @transform_3(%arg0: i32, %arg1: i32) -> (i32, i32) {
    %c0_i32 = arith.constant 0 : i32
    %c0_i32_0 = arith.constant 0 : i32
    %c0_i32_1 = arith.constant 0 : i32
    return %c0_i32, %c0_i32_0 : i32, i32
  }
  func.func @transform_4(%arg0: i32, %arg1: i32) -> (i32, i32) {
    %c0_i32 = arith.constant 0 : i32
    %c0_i32_0 = arith.constant 0 : i32
    %c0_i32_1 = arith.constant 0 : i32
    return %c0_i32, %c0_i32_0 : i32, i32
  }
  func.func @transform_5(%arg0: i32, %arg1: i32) -> (i32, i32) {
    %c0_i32 = arith.constant 0 : i32
    %c0_i32_0 = arith.constant 0 : i32
    %c0_i32_1 = arith.constant 0 : i32
    return %c0_i32, %c0_i32_0 : i32, i32
  }
  func.func @transform_6(%arg0: i32, %arg1: i32) -> (i32, i32) {
    %c0_i32 = arith.constant 0 : i32
    %c0_i32_0 = arith.constant 0 : i32
    %c0_i32_1 = arith.constant 0 : i32
    return %c0_i32, %c0_i32_0 : i32, i32
  }
  func.func @transform_7(%arg0: i32, %arg1: i32) -> (i32, i32) {
    %c0_i32 = arith.constant 0 : i32
    %c0_i32_0 = arith.constant 0 : i32
    %c0_i32_1 = arith.constant 0 : i32
    return %c0_i32, %c0_i32_0 : i32, i32
  }
  func.func @transform_8(%arg0: i32, %arg1: i32) -> (i32, i32, i32) {
    %c0_i32 = arith.constant 0 : i32
    %c0_i32_0 = arith.constant 0 : i32
    return %arg0, %arg1, %c0_i32 : i32, i32, i32
  }
  func.func @transform_9(%arg0: i32, %arg1: i32) -> (i32, i32, i32) {
    %c0_i32 = arith.constant 0 : i32
    %c0_i32_0 = arith.constant 0 : i32
    return %arg0, %arg1, %c0_i32 : i32, i32, i32
  }
}

</mosaic_0001>

<sc_bundles>
// kernel: kernel.12.cloned.1.call-start
scs
__scs_entry_jumppad:
0x0: {  	(pc) =	sbr.rel $0x88, $3  }
0x1: {  	(tag) =	ssettag $0x0;
	lr =	simm.s32 $0x1  }
0x2: {  	[smem:$0x3F99] =	sst lr;
	_ =	strace $0xD0000000  }
0x3: {  	_ = 	snop  }
0x4: {  	_ = 	snop  }
0x5: {  	_ = 	snop  }
0x6: {  	_ = 	snop  }
0x7: {  	_ = 	snop  }
__scs_overlays_trampoline_lowered:
0x8: {  	[smem:$0x3FA8] =	sst s0  }
0x9: {  	[smem:$0x3FA9] =	sst s1  }
0xa: {  	[smem:$0x3FAA] =	sst s2  }
0xb: {  	[smem:$0x3FAB] =	sst s3  }
0xc: {  	[smem:$0x3FAC] =	sst s4  }
0xd: {  	[smem:$0x3FAD] =	sst s5  }
0xe: {  	[smem:$0x3FAE] =	sst s6  }
0xf: {  	[smem:$0x3FAF] =	sst s7  }
0x10: {  	[smem:$0x3FB0] =	sst s8  }
0x11: {  	[smem:$0x3FB1] =	sst s9;
	s0 =	simm.s32 @!p0 $0x0  }
0x12: {  	s1 =	sld [smem:$0x3F97];
	s0 =	simm.s32 @p0 $0x1  }
0x13: {  	[smem:$0x3FB2] =	sst s0;
	s0 =	simm.s32 @!p1 $0x0  }
0x14: {  	s2 =	sld [smem:$0x3F96];
	s0 =	simm.s32 @p1 $0x1  }
0x15: {  	[smem:$0x3FB3] =	sst s0;
	s0 =	simm.s32 @!p2 $0x0  }
0x16: {  	s3 =	sld [smem:$0x3FDB];
	s0 =	simm.s32 @p2 $0x1  }
0x17: {  	s4 =	simm.s32 $0x1BF5;
	[smem:$0x3FB5] =	sst s0  }
0x18: {  	s0 =	sld [smem:$0x3F98];
	_ =	swait.ge [sflag:s4], $0x0  }
0x19: {  	s7 =	sld [smem:$0x3F99]  }
0x1a: {  	s8 =	sadd.s32 $0xFFFFE003, lr  }
0x1b: {  	s9 =	sadd.s32 $0xFFFFFEF7, lr;
	s5 =	simm.s32 $0xFFFFFFFF;
	p2 =	slt.u32 s8, $0xFFFFF086  }
0x1c: {  	p1 =	slt.u32 s9, $0xF7A;
	s5 =	simm.s32 @!p2 $0x0  }
0x1d: {  	s5 =	simm.s32 @p1 $0x1;
	p0 =	seq.s32 s7, s2  }
0x1e: {  	s7 =	smul.u32 @!p0 $0xF7A, s2;
	p2 =	seq.s32 @!p0 s5, $0x0  }
0x1f: {  	s9 =	smul.u32 $0xF7A, s1;
	s8 =	simm.s32 @!p0 $0x1BF5;
	p2 =	por !p2, p0  }
0x20: {  	[sflag:s8] =	ssyncset.s32 @!p0 $0xFFFFF086;
	s6 =	sadd.s32 @!p0 s3, s7;
	s7 =	simm.s32 @!p0 $0x108  }
0x21: {  	s3 =	sadd.s32 s3, s9;
	s6 =	sadd.s32 @!p0 $0x88, s6;
	s7 =	simm.s32 @p2 $0x1082  }
0x22: {  	[simem:s7], [sflag:s8] =	dma.local @!p0 [hbm:s6], $0xF7A  }
0x23: {  	s9 =	sor.u32 $0xD0000000, s2;
	s6 =	simm.s32 $0x108;
	_ =	swait.ge @!p0 [sflag:s8], $0x0  }
0x24: {  	s3 =	sadd.s32 $0x88, s3;
	s6 =	simm.s32 @!p1 $0x1082;
	[sflag:s4] =	ssyncset.s32 $0xFFFFF086  }
0x25: {  	[simem:s6], [sflag:s4] =	dma.local [hbm:s3], $0xF7A  }
0x26: {  	[smem:$0x3F99] =	sst s1;
	(tag) =	ssettag s2;
	_ =	strace s9  }
0x27: {  	s1 =	sld [smem:$0x3FA9]  }
0x28: {  	s2 =	sld [smem:$0x3FAA]  }
0x29: {  	s4 =	sld [smem:$0x3FAC]  }
0x2a: {  	p0 =	seq.s32 s5, $0x0;
	s5 =	sld [smem:$0x3FAD]  }
0x2b: {  	s6 =	sld [smem:$0x3FAE]  }
0x2c: {  	s7 =	sld [smem:$0x3FAF]  }
0x2d: {  	s3 =	simm.s32 $0x108;
	s8 =	sld [smem:$0x3FB0]  }
0x2e: {  	s3 =	simm.s32 @!p0 $0x1082;
	s9 =	sld [smem:$0x3FB1]  }
0x2f: {  	lr =	sadd.s32 s0, s3;
	s0 =	sld [smem:$0x3FA8]  }
0x30: {  	s3 =	sld [smem:$0x3FAB]  }
0x31: {  	[smem:$0x3FB4] =	sst s10  }
0x32: {  	s10 =	sld [smem:$0x3FB2];
	_ =	sdelay $0x3  }
0x33: {  	p0 =	seq.s32 s10, $0x1;
	s10 =	sld [smem:$0x3FB4];
	_ =	sdelay $0x3  }
0x34: {  	[smem:$0x3FB4] =	sst s10  }
0x35: {  	s10 =	sld [smem:$0x3FB3];
	_ =	sdelay $0x3  }
0x36: {  	p1 =	seq.s32 s10, $0x1;
	s10 =	sld [smem:$0x3FB4];
	_ =	sdelay $0x3  }
0x37: {  	[smem:$0x3FB4] =	sst s10  }
0x38: {  	s10 =	sld [smem:$0x3FB5]  }
0x39: {  	_ = 	snop;
	(pc) =	sbr.ind lr, $3  }
0x3a: {  	_ = 	snop  }
0x3b: {  	_ = 	snop  }
0x3c: {  	p2 =	seq.s32 s10, $0x1;
	s10 =	sld [smem:$0x3FB4]  }
0x3d: {  	_ =	shalt  }
0x3e: {  	_ =	shalt  }
0x3f: {  	_ =	shalt  }
0x40: {  	_ =	shalt  }
0x41: {  	_ =	shalt  }
0x42: {  	_ =	shalt  }
0x43: {  	_ =	shalt  }
0x44: {  	_ =	shalt  }
0x45: {  	_ =	shalt  }
0x46: {  	_ =	shalt  }
0x47: {  	_ =	shalt  }
0x48: {  	_ =	shalt  }
0x49: {  	_ =	shalt  }
0x4a: {  	_ =	shalt  }
0x4b: {  	_ =	shalt  }
0x4c: {  	_ =	shalt  }
0x4d: {  	_ =	shalt  }
0x4e: {  	_ =	shalt  }
0x4f: {  	_ =	shalt  }
0x50: {  	_ =	shalt  }
0x51: {  	_ =	shalt  }
0x52: {  	_ =	shalt  }
0x53: {  	_ =	shalt  }
0x54: {  	_ =	shalt  }
0x55: {  	_ =	shalt  }
0x56: {  	_ =	shalt  }
0x57: {  	_ =	shalt  }
0x58: {  	_ =	shalt  }
0x59: {  	_ =	shalt  }
0x5a: {  	_ =	shalt  }
0x5b: {  	_ =	shalt  }
0x5c: {  	_ =	shalt  }
0x5d: {  	_ =	shalt  }
0x5e: {  	_ =	shalt  }
0x5f: {  	_ =	shalt  }
0x60: {  	_ =	shalt  }
0x61: {  	_ =	shalt  }
0x62: {  	_ =	shalt  }
0x63: {  	_ =	shalt  }
0x64: {  	_ =	shalt  }
0x65: {  	_ =	shalt  }
0x66: {  	_ =	shalt  }
0x67: {  	_ =	shalt  }
0x68: {  	_ =	shalt  }
0x69: {  	_ =	shalt  }
0x6a: {  	_ =	shalt  }
0x6b: {  	_ =	shalt  }
0x6c: {  	_ =	shalt  }
0x6d: {  	_ =	shalt  }
0x6e: {  	_ =	shalt  }
0x6f: {  	_ =	shalt  }
0x70: {  	_ =	shalt  }
0x71: {  	_ =	shalt  }
0x72: {  	_ =	shalt  }
0x73: {  	_ =	shalt  }
0x74: {  	_ =	shalt  }
0x75: {  	_ =	shalt  }
0x76: {  	_ =	shalt  }
0x77: {  	_ =	shalt  }
0x78: {  	_ =	shalt  }
0x79: {  	_ =	shalt  }
0x7a: {  	_ =	shalt  }
0x7b: {  	_ =	shalt  }
0x7c: {  	_ =	shalt  }
0x7d: {  	_ =	shalt  }
0x7e: {  	_ =	shalt  }
0x7f: {  	_ =	shalt  }
0x80: {  	_ =	shalt  }
0x81: {  	_ =	shalt  }
0x82: {  	_ =	shalt  }
0x83: {  	_ =	shalt  }
0x84: {  	_ =	shalt  }
0x85: {  	_ =	shalt  }
0x86: {  	_ =	shalt  }
0x87: {  	_ =	shalt  }
.Lfunc_end0:
.L_simem_size_0:
called_computation.1_lowered:
.L_overlay_start_0:
0x88: {  	s2 =	sld [smem:$0x3FD9]  }
0x89: {  	s3 =	sld [smem:$0x3FFE];
	_ =	sdelay $0x1  }
0x8a: {  	s1 =	srdreg.scid  }
0x8b: {  	s0 =	sand.u32 $0x1, s1  }
0x8c: {  	s17 =	sshll.u32 s0, $0xA;
	s2 =	sadd.s32 s3, s2  }
0x8d: {  	s2 =	sadd.s32 s2, s17  }
0x8e: {  	[smem:$0x3FC0] =	sst s2  }
0x8f: {  	_ = 	snop  }
0x90: {  	s18 =	sld [smem:$0x3FD0];
	(tm) =	ssettm $0x1  }
0x91: {  	s19 =	sld [smem:$0x3FFB];
	_ =	sdelay $0x3  }
0x92: {  	_ =	strace s19  }
0x93: {  	s2 =	sld [smem:$0x3FFC];
	_ =	sdelay $0x3  }
0x94: {  	_ =	strace s2  }
0x95: {  	s2 =	sld [smem:$0x3FFD];
	_ =	sdelay $0x3  }
0x96: {  	_ =	strace s2  }
0x97: {  	_ =	strace $0x8FFFFFFF  }
0x98: {  	s20 =	sld [smem:$0x3FDB];
	_ =	sdelay $0x1  }
0x99: {  	s4 =	simm.s32 $_scs_section_size  }
0x9a: {  	s5 =	simm.s32 $_size__tile_overlayer_lowered;
	s6 =	simm.s32 $_tile_overlayer_lowered  }
0x9b: {  	s7 =	simm.s32 $0x1BFF;
	s21 =	sshll.u32 s6, $0x1;
	s4 =	sadd.s32 s4, s20  }
0x9c: {  	s22 =	simm.s32 $0x0;
	s5 =	sshll.u32 s5, $0x1;
	s6 =	sadd.s32 s21, s4  }
0x9d: {  	[timem:s22], [sflag:s7] =	dma.local [hbm:s6], s5  }
0x9e: {  	_ =	swait.ge [sflag:s7], s5  }
0x9f: {  	s5 =	ssub.s32 $0x0, s5;
	[sflag:s7] =	ssyncset.done $0x0  }
0xa0: {  	[sflag:s7] =	ssyncadd.s32 s5;
	_ =	sdelay $0x1  }
0xa1: {  	s23 =	simm.s32 $0x1B8B  }
0xa2: {  	_ =	swait.ge [sflag:s23], $0x1  }
0xa3: {  	[sflag:s23] =	ssyncset.done $0x0  }
0xa4: {  	[sflag:s23] =	ssyncadd.s32 $0xFFFFFFFF  }
0xa5: {  	s5 =	sld [smem:$0x0]  }
0xa6: {  	s6 =	sand.u32 $0xFFFFFFFE, s1  }
0xa7: {  	p0 =	sne.s32 s1, s6  }
0xa8: {  	s6 =	sshll.u32 @p0 s6, $0xE  }
0xa9: {  	s6 =	sadd.s32 @p0 $0x11B8D, s6;
	s7 =	sshll.u32 @p0 s5, $0x11  }
0xaa: {  	s6 =	sor.u32 @p0 s7, s6  }
0xab: {  	[sflag:s6] =	ssyncadd.remote.s32 @p0 $0x1;
	_ =	sdelay $0x1  }
0xac: {  	s6 =	simm.s32 @p0 $0x1B8D  }
0xad: {  	_ =	swait.eq @p0 [sflag:s6], $0x1  }
0xae: {  	[sflag:s6] =	ssyncadd.s32 @p0 $0xFFFFFFFF  }
0xaf: {  	s7 =	sshll.u32 @!p0 s1, $0xE  }
0xb0: {  	s7 =	sor.u32 @!p0 $0x4000, s7;
	s6 =	simm.s32 @!p0 $0x1B8D  }
0xb1: {  	s5 =	sshll.u32 @!p0 s5, $0x11;
	s7 =	sadd.s32 @!p0 $0x11B8D, s7;
	_ =	swait.eq @!p0 [sflag:s6], $0x1  }
0xb2: {  	s5 =	sor.u32 @!p0 s5, s7;
	[sflag:s6] =	ssyncadd.s32 @!p0 $0xFFFFFFFF  }
0xb3: {  	s25 =	simm.s32 $0x1B8E;
	s24 =	sld [smem:$0x3FFE];
	[sflag:s5] =	ssyncadd.remote.s32 @!p0 $0x1  }
0xb4: {  	s26 =	simm.s32 $execute0_lowered;
	[smem:$0x3FD2] =	sst s25  }
0xb5: {  	s6 =	sshll.u32 s26, $0x1;
	_ =	strace $0x80000049;
	[dreg:$0x1] =	wrdreg $0xFFFFFFFF  }
0xb6: {  	s28 =	simm.s32 $_size_execute0_lowered;
	s4 =	sadd.s32 s4, s6;
	[dreg:$0x0] =	wrdreg $0x0  }
0xb7: {  	s6 =	sshll.u32 s28, $0x1;
	[dreg:$0x2] =	wrdreg s4  }
0xb8: {  	[dreg:$0x3] =	wrdreg s6  }
0xb9: {  	[dreg:$0x4] =	wrdreg $0xC0  }
0xba: {  	_ =	task [dreg:s22], $0x5FFFF  }
0xbb: {  	[dreg:$0x1] =	wrdreg $0xFFFFFFFF  }
0xbc: {  	[dreg:$0x0] =	wrdreg $0x60  }
0xbd: {  	[dreg:$0x2] =	wrdreg s18  }
0xbe: {  	[dreg:$0x3] =	wrdreg s24  }
0xbf: {  	[dreg:$0x4] =	wrdreg $0xA  }
0xc0: {  	_ =	task.clear_ibuf [dreg:s22], $0x5FFFF;
	_ =	strace $0x90000049  }
0xc1: {  	s29 =	simm.s32 $0xA;
	_ =	strace $0x8000004B  }
0xc2: {  	_ =	swait.ge [sflag:s29], $0x1  }
0xc3: {  	[sflag:s29] =	ssyncadd.s32 $0xFFFFFFFF  }
0xc4: {  	_ =	strace $0x9000004B  }
0xc5: {  	_ =	sfence  }
0xc6: {  	s30 =	sld [smem:$0x0];
	_ =	sdelay $0x2  }
0xc7: {  	s31 =	sshll.u32 s1, $0xD;
	s1 =	sshrl.u32 s1, $0x2  }
0xc8: {  	s4 =	sand.u32 $0x4000, s31;
	s1 =	sadd.s32 s1, s30  }
0xc9: {  	s0 =	sor.u32 s4, s0;
	s1 =	sshll.u32 s1, $0x11  }
0xca: {  	s0 =	sor.u32 s1, s0  }
0xcb: {  	s0 =	sadd.s32 $0x8F2B, s0  }
0xcc: {  	[sflag:s0] =	ssyncadd.remote.s32 $0x1  }
0xcd: {  	_ =	sfence.sel $0xFFFF  }
0xce: {  	[dreg:$0x0] =	wrdreg $0xFFFFFFFF;
	(pc) =	sbr.abs _section_cstart, $3  }
0xcf: {  	[dreg:$0x1] =	wrdreg $0xFFFFFFFF  }
0xd0: {  	_ =	task.clear_ibuf [dreg:s22], $0x2FFFF;
	_ =	strace $0x9FFFFFFF  }
0xd1: {  	(tm) =	ssettm $0x7FFFFFFF  }
tec
execute0_lowered:
.L_overlay_start_1:
0x0: {  	(tag) =	ssettag $0x1  }
0x1: {  	s1 =	srdreg.scid  }
0x2: {  	s0 =	stileid.u32;
	s24 =	sand.u32 $0x1, s1  }
0x3: {  	s2 =	rddreg [dreg:$0x0];
	s30 =	sshll.u32 s0, $0xB;
	s3 =	sshll.u32 s24, $0xA  }
0x4: {  	s10 =	rddreg [dreg:$0x1];
	s11 =	sor.u32 s3, s30  }
0x5: {  	s1 =	rddreg [dreg:$0x2];
	s3 =	simm.s32 $0x0;
	s4 =	sshrl.u32 s11, $0x3  }
0x6: {  	[smem:$0x7FF] =	sst s3;
	s4 =	sadd.s32 s4, s10  }
0x7: {  	_ =	strace $0x8000004A;
	s5 =	sadd.s32 $0x83400, s4;
	s4 =	simm.s32 $0x3  }
0x8: {  	[tilespmem:s3], [sflag:$0x3] =	stream.linear.gather [hbm4b:s5+s3], $0x400, $0x38;
	[tilespmem:$0x8400] =	vst v63  }
0x9: {  	_ =	swait.ge [sflag:s4], $0x400  }
0xa: {  	[sflag:s4] =	ssyncset.done $0x0  }
0xb: {  	s6 =	simm.s32 $0x80;
	s7 =	simm.s32 $0x400;
	[sflag:s4] =	ssyncadd.s32 $0xFFFFFC00  }
0xc: {  	[tilespmem:s7], [sflag:$0x1] =	stream.indirect.gather [hbm4b:s2+s6], $0x80, s3, s6, $0xb8;
	[tilespmem:$0x8400] =	vst v63  }
0xd: {  	s8 =	simm.s32 $0x4400;
	s9 =	simm.s32 $0x1  }
0xe: {  	[tilespmem:s8], [sflag:$0x2] =	stream.indirect.gather [hbm4b:s2+s6], $0x80, s6, s6, $0xb8;
	[tilespmem:$0x8400] =	vst v63  }
0xf: {  	s11 =	sshll.u32 s11, $0x4;
	_ =	swait.ge [sflag:s9], $0x4000  }
0x10: {  	s25 =	sadd.s32 s11, s10;
	[sflag:s9] =	ssyncset.done $0x0  }
0x11: {  	s10 =	sadd.s32 $0x84400, s25;
	[sflag:s9] =	ssyncadd.s32 $0xFFFFC000  }
0x12: {  	[hbm4b:s10+s3] =	stream.linear.scatter [tilespmem:s7], [sflag:$0x3], $0x4000, $0x38;
	[tilespmem:$0x8400] =	vst v63  }
0x13: {  	_ =	swait.ge [sflag:s4], $0x4000  }
0x14: {  	[sflag:s4] =	ssyncset.done $0x0  }
0x15: {  	s12 =	simm.s32 $0x2;
	s11 =	simm.s32 $0x100;
	[sflag:s4] =	ssyncadd.s32 $0xFFFFC000  }
0x16: {  	[tilespmem:s7], [sflag:$0x1] =	stream.indirect.gather [hbm4b:s2+s6], $0x80, s11, s6, $0xb8;
	[tilespmem:$0x8400] =	vst v63  }
0x17: {  	_ =	swait.ge [sflag:s12], $0x4000  }
0x18: {  	[sflag:s12] =	ssyncset.done $0x0  }
0x19: {  	s13 =	sadd.s32 $0x84C00, s25;
	[sflag:s12] =	ssyncadd.s32 $0xFFFFC000  }
0x1a: {  	[hbm4b:s13+s3] =	stream.linear.scatter [tilespmem:s8], [sflag:$0x3], $0x4000, $0x38;
	[tilespmem:$0x8400] =	vst v63  }
0x1b: {  	_ =	swait.ge [sflag:s4], $0x4000  }
0x1c: {  	[sflag:s4] =	ssyncset.done $0x0  }
0x1d: {  	s14 =	simm.s32 $0x180;
	[sflag:s4] =	ssyncadd.s32 $0xFFFFC000  }
0x1e: {  	[tilespmem:s8], [sflag:$0x2] =	stream.indirect.gather [hbm4b:s2+s6], $0x80, s14, s6, $0xb8;
	[tilespmem:$0x8400] =	vst v63  }
0x1f: {  	_ =	swait.ge [sflag:s9], $0x4000  }
0x20: {  	[sflag:s9] =	ssyncset.done $0x0  }
0x21: {  	s15 =	sadd.s32 $0x85400, s25;
	[sflag:s9] =	ssyncadd.s32 $0xFFFFC000  }
0x22: {  	[hbm4b:s15+s3] =	stream.linear.scatter [tilespmem:s7], [sflag:$0x3], $0x4000, $0x38;
	[tilespmem:$0x8400] =	vst v63  }
0x23: {  	_ =	swait.ge [sflag:s4], $0x4000  }
0x24: {  	[sflag:s4] =	ssyncset.done $0x0  }
0x25: {  	s16 =	simm.s32 $0x200;
	[sflag:s4] =	ssyncadd.s32 $0xFFFFC000  }
0x26: {  	[tilespmem:s7], [sflag:$0x1] =	stream.indirect.gather [hbm4b:s2+s6], $0x80, s16, s6, $0xb8;
	[tilespmem:$0x8400] =	vst v63  }
0x27: {  	_ =	swait.ge [sflag:s12], $0x4000  }
0x28: {  	[sflag:s12] =	ssyncset.done $0x0  }
0x29: {  	s17 =	sadd.s32 $0x85C00, s25;
	[sflag:s12] =	ssyncadd.s32 $0xFFFFC000  }
0x2a: {  	[hbm4b:s17+s3] =	stream.linear.scatter [tilespmem:s8], [sflag:$0x3], $0x4000, $0x38;
	[tilespmem:$0x8400] =	vst v63  }
0x2b: {  	_ =	swait.ge [sflag:s4], $0x4000  }
0x2c: {  	[sflag:s4] =	ssyncset.done $0x0  }
0x2d: {  	s18 =	simm.s32 $0x280;
	[sflag:s4] =	ssyncadd.s32 $0xFFFFC000  }
0x2e: {  	[tilespmem:s8], [sflag:$0x2] =	stream.indirect.gather [hbm4b:s2+s6], $0x80, s18, s6, $0xb8;
	[tilespmem:$0x8400] =	vst v63  }
0x2f: {  	_ =	swait.ge [sflag:s9], $0x4000  }
0x30: {  	[sflag:s9] =	ssyncset.done $0x0  }
0x31: {  	s19 =	sadd.s32 $0x86400, s25;
	[sflag:s9] =	ssyncadd.s32 $0xFFFFC000  }
0x32: {  	[hbm4b:s19+s3] =	stream.linear.scatter [tilespmem:s7], [sflag:$0x3], $0x4000, $0x38;
	[tilespmem:$0x8400] =	vst v63  }
0x33: {  	_ =	swait.ge [sflag:s4], $0x4000  }
0x34: {  	[sflag:s4] =	ssyncset.done $0x0  }
0x35: {  	s20 =	simm.s32 $0x300;
	[sflag:s4] =	ssyncadd.s32 $0xFFFFC000  }
0x36: {  	[tilespmem:s7], [sflag:$0x1] =	stream.indirect.gather [hbm4b:s2+s6], $0x80, s20, s6, $0xb8;
	[tilespmem:$0x8400] =	vst v63  }
0x37: {  	_ =	swait.ge [sflag:s12], $0x4000  }
0x38: {  	[sflag:s12] =	ssyncset.done $0x0  }
0x39: {  	s21 =	sadd.s32 $0x86C00, s25;
	[sflag:s12] =	ssyncadd.s32 $0xFFFFC000  }
0x3a: {  	[hbm4b:s21+s3] =	stream.linear.scatter [tilespmem:s8], [sflag:$0x3], $0x4000, $0x38;
	[tilespmem:$0x8400] =	vst v63  }
0x3b: {  	_ =	swait.ge [sflag:s4], $0x4000  }
0x3c: {  	[sflag:s4] =	ssyncset.done $0x0  }
0x3d: {  	s22 =	simm.s32 $0x380;
	[sflag:s4] =	ssyncadd.s32 $0xFFFFC000  }
0x3e: {  	[tilespmem:s8], [sflag:$0x2] =	stream.indirect.gather [hbm4b:s2+s6], $0x80, s22, s6, $0xb8;
	[tilespmem:$0x8400] =	vst v63  }
0x3f: {  	_ =	swait.ge [sflag:s9], $0x4000  }
0x40: {  	[sflag:s9] =	ssyncset.done $0x0  }
0x41: {  	s24 =	ssub.s32 $0x2, s24;
	s23 =	sadd.s32 $0x87400, s25;
	[sflag:s9] =	ssyncadd.s32 $0xFFFFC000  }
0x42: {  	[hbm4b:s23+s3] =	stream.linear.scatter [tilespmem:s7], [sflag:$0x3], $0x4000, $0x38;
	[tilespmem:$0x8400] =	vst v63  }
0x43: {  	s26 =	sshrl.u32 s24, $0x1;
	_ =	swait.ge [sflag:s4], $0x4000  }
0x44: {  	s26 =	ssub.s32 s24, s26;
	[sflag:s4] =	ssyncset.done $0x0  }
0x45: {  	s31 =	smax.u32 s26, $0x1;
	[sflag:s4] =	ssyncadd.s32 $0xFFFFC000  }
0x46: {  	p0 =	sne.s32 s31, $0x1;
	_ =	swait.ge [sflag:s12], $0x4000  }
.Ltmp0:
0x47: {  	[sflag:s12] =	ssyncset.done $0x0;
	(pc) =	sbr.rel @!p0 .LBB2_2-.Ltmp0, $4  }
0x48: {  	s24 =	sadd.s32 $0x87C00, s25;
	[sflag:s12] =	ssyncadd.s32 $0xFFFFC000  }
0x49: {  	[hbm4b:s24+s3] =	stream.linear.scatter [tilespmem:s8], [sflag:$0x3], $0x4000, $0x38;
	[tilespmem:$0x8400] =	vst v63  }
0x4a: {  	_ =	swait.ge [sflag:s4], $0x4000  }
0x4b: {  	s25 =	sadd.s32 $0xFFFFFFFF, s31;
	[sflag:s4] =	ssyncset.done $0x0  }
.LBB2_1:
0x4c: {  	p0 =	sne.s32 s25, $0x1;
	s25 =	sadd.s32 $0xFFFFFFFF, s25;
	[sflag:s4] =	ssyncadd.s32 $0xFFFFC000  }
0x4d: {  	[tilespmem:s3], [sflag:$0x3] =	stream.linear.gather [hbm4b:s5+s3], $0x400, $0x38;
	[tilespmem:$0x8400] =	vst v63  }
0x4e: {  	_ =	swait.ge [sflag:s4], $0x400  }
0x4f: {  	[sflag:s4] =	ssyncset.done $0x0  }
0x50: {  	[sflag:s4] =	ssyncadd.s32 $0xFFFFFC00  }
0x51: {  	[tilespmem:s7], [sflag:$0x1] =	stream.indirect.gather [hbm4b:s2+s6], $0x80, s3, s6, $0xb8;
	[tilespmem:$0x8400] =	vst v63  }
0x52: {  	_ = 	snop  }
0x53: {  	[tilespmem:s8], [sflag:$0x2] =	stream.indirect.gather [hbm4b:s2+s6], $0x80, s6, s6, $0xb8;
	[tilespmem:$0x8400] =	vst v63  }
0x54: {  	_ =	swait.ge [sflag:s9], $0x4000  }
0x55: {  	[sflag:s9] =	ssyncset.done $0x0  }
0x56: {  	[sflag:s9] =	ssyncadd.s32 $0xFFFFC000  }
0x57: {  	[hbm4b:s10+s3] =	stream.linear.scatter [tilespmem:s7], [sflag:$0x3], $0x4000, $0x38;
	[tilespmem:$0x8400] =	vst v63  }
0x58: {  	_ =	swait.ge [sflag:s4], $0x4000  }
0x59: {  	[sflag:s4] =	ssyncset.done $0x0  }
0x5a: {  	[sflag:s4] =	ssyncadd.s32 $0xFFFFC000  }
0x5b: {  	[tilespmem:s7], [sflag:$0x1] =	stream.indirect.gather [hbm4b:s2+s6], $0x80, s11, s6, $0xb8;
	[tilespmem:$0x8400] =	vst v63  }
0x5c: {  	_ =	swait.ge [sflag:s12], $0x4000  }
0x5d: {  	[sflag:s12] =	ssyncset.done $0x0  }
0x5e: {  	[sflag:s12] =	ssyncadd.s32 $0xFFFFC000  }
0x5f: {  	[hbm4b:s13+s3] =	stream.linear.scatter [tilespmem:s8], [sflag:$0x3], $0x4000, $0x38;
	[tilespmem:$0x8400] =	vst v63  }
0x60: {  	_ =	swait.ge [sflag:s4], $0x4000  }
0x61: {  	[sflag:s4] =	ssyncset.done $0x0  }
0x62: {  	[sflag:s4] =	ssyncadd.s32 $0xFFFFC000  }
0x63: {  	[tilespmem:s8], [sflag:$0x2] =	stream.indirect.gather [hbm4b:s2+s6], $0x80, s14, s6, $0xb8;
	[tilespmem:$0x8400] =	vst v63  }
0x64: {  	_ =	swait.ge [sflag:s9], $0x4000  }
0x65: {  	[sflag:s9] =	ssyncset.done $0x0  }
0x66: {  	[sflag:s9] =	ssyncadd.s32 $0xFFFFC000  }
0x67: {  	[hbm4b:s15+s3] =	stream.linear.scatter [tilespmem:s7], [sflag:$0x3], $0x4000, $0x38;
	[tilespmem:$0x8400] =	vst v63  }
0x68: {  	_ =	swait.ge [sflag:s4], $0x4000  }
0x69: {  	[sflag:s4] =	ssyncset.done $0x0  }
0x6a: {  	[sflag:s4] =	ssyncadd.s32 $0xFFFFC000  }
0x6b: {  	[tilespmem:s7], [sflag:$0x1] =	stream.indirect.gather [hbm4b:s2+s6], $0x80, s16, s6, $0xb8;
	[tilespmem:$0x8400] =	vst v63  }
0x6c: {  	_ =	swait.ge [sflag:s12], $0x4000  }
0x6d: {  	[sflag:s12] =	ssyncset.done $0x0  }
0x6e: {  	[sflag:s12] =	ssyncadd.s32 $0xFFFFC000  }
0x6f: {  	[hbm4b:s17+s3] =	stream.linear.scatter [tilespmem:s8], [sflag:$0x3], $0x4000, $0x38;
	[tilespmem:$0x8400] =	vst v63  }
0x70: {  	_ =	swait.ge [sflag:s4], $0x4000  }
0x71: {  	[sflag:s4] =	ssyncset.done $0x0  }
0x72: {  	[sflag:s4] =	ssyncadd.s32 $0xFFFFC000  }
0x73: {  	[tilespmem:s8], [sflag:$0x2] =	stream.indirect.gather [hbm4b:s2+s6], $0x80, s18, s6, $0xb8;
	[tilespmem:$0x8400] =	vst v63  }
0x74: {  	_ =	swait.ge [sflag:s9], $0x4000  }
0x75: {  	[sflag:s9] =	ssyncset.done $0x0  }
0x76: {  	[sflag:s9] =	ssyncadd.s32 $0xFFFFC000  }
0x77: {  	[hbm4b:s19+s3] =	stream.linear.scatter [tilespmem:s7], [sflag:$0x3], $0x4000, $0x38;
	[tilespmem:$0x8400] =	vst v63  }
0x78: {  	_ =	swait.ge [sflag:s4], $0x4000  }
0x79: {  	[sflag:s4] =	ssyncset.done $0x0  }
0x7a: {  	[sflag:s4] =	ssyncadd.s32 $0xFFFFC000  }
0x7b: {  	[tilespmem:s7], [sflag:$0x1] =	stream.indirect.gather [hbm4b:s2+s6], $0x80, s20, s6, $0xb8;
	[tilespmem:$0x8400] =	vst v63  }
0x7c: {  	_ =	swait.ge [sflag:s12], $0x4000  }
0x7d: {  	[sflag:s12] =	ssyncset.done $0x0  }
0x7e: {  	[sflag:s12] =	ssyncadd.s32 $0xFFFFC000  }
0x7f: {  	[hbm4b:s21+s3] =	stream.linear.scatter [tilespmem:s8], [sflag:$0x3], $0x4000, $0x38;
	[tilespmem:$0x8400] =	vst v63  }
0x80: {  	_ =	swait.ge [sflag:s4], $0x4000  }
0x81: {  	[sflag:s4] =	ssyncset.done $0x0  }
0x82: {  	[sflag:s4] =	ssyncadd.s32 $0xFFFFC000  }
0x83: {  	[tilespmem:s8], [sflag:$0x2] =	stream.indirect.gather [hbm4b:s2+s6], $0x80, s22, s6, $0xb8;
	[tilespmem:$0x8400] =	vst v63  }
0x84: {  	_ =	swait.ge [sflag:s9], $0x4000  }
0x85: {  	[sflag:s9] =	ssyncset.done $0x0  }
0x86: {  	[sflag:s9] =	ssyncadd.s32 $0xFFFFC000  }
0x87: {  	[hbm4b:s23+s3] =	stream.linear.scatter [tilespmem:s7], [sflag:$0x3], $0x4000, $0x38;
	[tilespmem:$0x8400] =	vst v63  }
0x88: {  	_ =	swait.ge [sflag:s4], $0x4000  }
0x89: {  	[sflag:s4] =	ssyncset.done $0x0  }
0x8a: {  	[sflag:s4] =	ssyncadd.s32 $0xFFFFC000  }
0x8b: {  	_ =	swait.ge [sflag:s12], $0x4000  }
.Ltmp1:
0x8c: {  	[sflag:s12] =	ssyncset.done $0x0;
	(pc) =	sbr.rel @p0 .LBB2_1-.Ltmp1, $4  }
0x8d: {  	[sflag:s12] =	ssyncadd.s32 $0xFFFFC000  }
0x8e: {  	[hbm4b:s24+s3] =	stream.linear.scatter [tilespmem:s8], [sflag:$0x3], $0x4000, $0x38;
	[tilespmem:$0x8400] =	vst v63  }
0x8f: {  	_ =	swait.ge [sflag:s4], $0x4000  }
0x90: {  	[sflag:s4] =	ssyncset.done $0x0  }
.LBB2_2:
0x91: {  	[sflag:s4] =	ssyncadd.s32 $0xFFFFC000  }
0x92: {  	_ =	sfence.sel $0x180000  }
0x93: {  	[bflag:$0x0] =	sbarrier.arrive $0xFFFF  }
0x94: {  	p0 =	sne.s32 s0, $0x0;
	_ =	strace $0x9000004A  }
0x95: {  	s0 =	sadd.s32 @!p0 $0x100000, s1;
	[bflag:$0x2] =	sbarrier.arrive $0xFFFF  }
0x96: {  	[sflag:s0] =	ssyncadd.tile.s32 @!p0 $0x1;
	_ =	shalt  }
.Lfunc_end2:
_tile_overlayer_lowered:
.L_overlay_start_2:
0x97: {  	(tag) =	ssettag $0x2  }
0x98: {  	s0 =	rddreg [dreg:$0x0];
	s2 =	stileid.u32  }
0x99: {  	s1 =	rddreg [dreg:$0x1];
	p0 =	sne.s32 s2, $0x0  }
0x9a: {  	s3 =	rddreg [dreg:$0x2];
	[bflag:$0x3] =	sbarrier.arrive $0xFFFF;
	s2 =	simm.s32 @!p0 $0x1C03  }
0x9b: {  	[timem:s3], [sflag:s2] =	dma.local @!p0 [hbm:s0], s1  }
0x9c: {  	s0 =	simm.s32 @!p0 $0x3  }
0x9d: {  	_ =	swait.ge @!p0 [sflag:s0], s1  }
0x9e: {  	s1 =	ssub.s32 @!p0 $0x0, s1;
	[sflag:s0] =	ssyncset.done @!p0 $0x0  }
0x9f: {  	[sflag:s0] =	ssyncadd.s32 @!p0 s1  }
0xa0: {  	[bflag:$0x3] =	sbarrier.arrive $0xFFFF  }
0xa1: {  	_ =	shalt  }

// kernel: kernel.9.cloned.1.call-start
scs
__scs_entry_jumppad:
0x0: {  	(pc) =	sbr.rel $0x88, $3  }
0x1: {  	(tag) =	ssettag $0x0;
	lr =	simm.s32 $0x1  }
0x2: {  	[smem:$0x3F99] =	sst lr;
	_ =	strace $0xD0000000  }
0x3: {  	_ = 	snop  }
0x4: {  	_ = 	snop  }
0x5: {  	_ = 	snop  }
0x6: {  	_ = 	snop  }
0x7: {  	_ = 	snop  }
__scs_overlays_trampoline_lowered:
0x8: {  	[smem:$0x3FA8] =	sst s0  }
0x9: {  	[smem:$0x3FA9] =	sst s1  }
0xa: {  	[smem:$0x3FAA] =	sst s2  }
0xb: {  	[smem:$0x3FAB] =	sst s3  }
0xc: {  	[smem:$0x3FAC] =	sst s4  }
0xd: {  	[smem:$0x3FAD] =	sst s5  }
0xe: {  	[smem:$0x3FAE] =	sst s6  }
0xf: {  	[smem:$0x3FAF] =	sst s7  }
0x10: {  	[smem:$0x3FB0] =	sst s8  }
0x11: {  	[smem:$0x3FB1] =	sst s9;
	s0 =	simm.s32 @!p0 $0x0  }
0x12: {  	s1 =	sld [smem:$0x3F97];
	s0 =	simm.s32 @p0 $0x1  }
0x13: {  	[smem:$0x3FB2] =	sst s0;
	s0 =	simm.s32 @!p1 $0x0  }
0x14: {  	s2 =	sld [smem:$0x3F96];
	s0 =	simm.s32 @p1 $0x1  }
0x15: {  	[smem:$0x3FB3] =	sst s0;
	s0 =	simm.s32 @!p2 $0x0  }
0x16: {  	s3 =	sld [smem:$0x3FDB];
	s0 =	simm.s32 @p2 $0x1  }
0x17: {  	s4 =	simm.s32 $0x1BF5;
	[smem:$0x3FB5] =	sst s0  }
0x18: {  	s0 =	sld [smem:$0x3F98];
	_ =	swait.ge [sflag:s4], $0x0  }
0x19: {  	s7 =	sld [smem:$0x3F99]  }
0x1a: {  	s8 =	sadd.s32 $0xFFFFE003, lr  }
0x1b: {  	s9 =	sadd.s32 $0xFFFFFEF7, lr;
	s5 =	simm.s32 $0xFFFFFFFF;
	p2 =	slt.u32 s8, $0xFFFFF086  }
0x1c: {  	p1 =	slt.u32 s9, $0xF7A;
	s5 =	simm.s32 @!p2 $0x0  }
0x1d: {  	s5 =	simm.s32 @p1 $0x1;
	p0 =	seq.s32 s7, s2  }
0x1e: {  	s7 =	smul.u32 @!p0 $0xF7A, s2;
	p2 =	seq.s32 @!p0 s5, $0x0  }
0x1f: {  	s9 =	smul.u32 $0xF7A, s1;
	s8 =	simm.s32 @!p0 $0x1BF5;
	p2 =	por !p2, p0  }
0x20: {  	[sflag:s8] =	ssyncset.s32 @!p0 $0xFFFFF086;
	s6 =	sadd.s32 @!p0 s3, s7;
	s7 =	simm.s32 @!p0 $0x108  }
0x21: {  	s3 =	sadd.s32 s3, s9;
	s6 =	sadd.s32 @!p0 $0x88, s6;
	s7 =	simm.s32 @p2 $0x1082  }
0x22: {  	[simem:s7], [sflag:s8] =	dma.local @!p0 [hbm:s6], $0xF7A  }
0x23: {  	s9 =	sor.u32 $0xD0000000, s2;
	s6 =	simm.s32 $0x108;
	_ =	swait.ge @!p0 [sflag:s8], $0x0  }
0x24: {  	s3 =	sadd.s32 $0x88, s3;
	s6 =	simm.s32 @!p1 $0x1082;
	[sflag:s4] =	ssyncset.s32 $0xFFFFF086  }
0x25: {  	[simem:s6], [sflag:s4] =	dma.local [hbm:s3], $0xF7A  }
0x26: {  	[smem:$0x3F99] =	sst s1;
	(tag) =	ssettag s2;
	_ =	strace s9  }
0x27: {  	s1 =	sld [smem:$0x3FA9]  }
0x28: {  	s2 =	sld [smem:$0x3FAA]  }
0x29: {  	s4 =	sld [smem:$0x3FAC]  }
0x2a: {  	p0 =	seq.s32 s5, $0x0;
	s5 =	sld [smem:$0x3FAD]  }
0x2b: {  	s6 =	sld [smem:$0x3FAE]  }
0x2c: {  	s7 =	sld [smem:$0x3FAF]  }
0x2d: {  	s3 =	simm.s32 $0x108;
	s8 =	sld [smem:$0x3FB0]  }
0x2e: {  	s3 =	simm.s32 @!p0 $0x1082;
	s9 =	sld [smem:$0x3FB1]  }
0x2f: {  	lr =	sadd.s32 s0, s3;
	s0 =	sld [smem:$0x3FA8]  }
0x30: {  	s3 =	sld [smem:$0x3FAB]  }
0x31: {  	[smem:$0x3FB4] =	sst s10  }
0x32: {  	s10 =	sld [smem:$0x3FB2];
	_ =	sdelay $0x3  }
0x33: {  	p0 =	seq.s32 s10, $0x1;
	s10 =	sld [smem:$0x3FB4];
	_ =	sdelay $0x3  }
0x34: {  	[smem:$0x3FB4] =	sst s10  }
0x35: {  	s10 =	sld [smem:$0x3FB3];
	_ =	sdelay $0x3  }
0x36: {  	p1 =	seq.s32 s10, $0x1;
	s10 =	sld [smem:$0x3FB4];
	_ =	sdelay $0x3  }
0x37: {  	[smem:$0x3FB4] =	sst s10  }
0x38: {  	s10 =	sld [smem:$0x3FB5]  }
0x39: {  	_ = 	snop;
	(pc) =	sbr.ind lr, $3  }
0x3a: {  	_ = 	snop  }
0x3b: {  	_ = 	snop  }
0x3c: {  	p2 =	seq.s32 s10, $0x1;
	s10 =	sld [smem:$0x3FB4]  }
0x3d: {  	_ =	shalt  }
0x3e: {  	_ =	shalt  }
0x3f: {  	_ =	shalt  }
0x40: {  	_ =	shalt  }
0x41: {  	_ =	shalt  }
0x42: {  	_ =	shalt  }
0x43: {  	_ =	shalt  }
0x44: {  	_ =	shalt  }
0x45: {  	_ =	shalt  }
0x46: {  	_ =	shalt  }
0x47: {  	_ =	shalt  }
0x48: {  	_ =	shalt  }
0x49: {  	_ =	shalt  }
0x4a: {  	_ =	shalt  }
0x4b: {  	_ =	shalt  }
0x4c: {  	_ =	shalt  }
0x4d: {  	_ =	shalt  }
0x4e: {  	_ =	shalt  }
0x4f: {  	_ =	shalt  }
0x50: {  	_ =	shalt  }
0x51: {  	_ =	shalt  }
0x52: {  	_ =	shalt  }
0x53: {  	_ =	shalt  }
0x54: {  	_ =	shalt  }
0x55: {  	_ =	shalt  }
0x56: {  	_ =	shalt  }
0x57: {  	_ =	shalt  }
0x58: {  	_ =	shalt  }
0x59: {  	_ =	shalt  }
0x5a: {  	_ =	shalt  }
0x5b: {  	_ =	shalt  }
0x5c: {  	_ =	shalt  }
0x5d: {  	_ =	shalt  }
0x5e: {  	_ =	shalt  }
0x5f: {  	_ =	shalt  }
0x60: {  	_ =	shalt  }
0x61: {  	_ =	shalt  }
0x62: {  	_ =	shalt  }
0x63: {  	_ =	shalt  }
0x64: {  	_ =	shalt  }
0x65: {  	_ =	shalt  }
0x66: {  	_ =	shalt  }
0x67: {  	_ =	shalt  }
0x68: {  	_ =	shalt  }
0x69: {  	_ =	shalt  }
0x6a: {  	_ =	shalt  }
0x6b: {  	_ =	shalt  }
0x6c: {  	_ =	shalt  }
0x6d: {  	_ =	shalt  }
0x6e: {  	_ =	shalt  }
0x6f: {  	_ =	shalt  }
0x70: {  	_ =	shalt  }
0x71: {  	_ =	shalt  }
0x72: {  	_ =	shalt  }
0x73: {  	_ =	shalt  }
0x74: {  	_ =	shalt  }
0x75: {  	_ =	shalt  }
0x76: {  	_ =	shalt  }
0x77: {  	_ =	shalt  }
0x78: {  	_ =	shalt  }
0x79: {  	_ =	shalt  }
0x7a: {  	_ =	shalt  }
0x7b: {  	_ =	shalt  }
0x7c: {  	_ =	shalt  }
0x7d: {  	_ =	shalt  }
0x7e: {  	_ =	shalt  }
0x7f: {  	_ =	shalt  }
0x80: {  	_ =	shalt  }
0x81: {  	_ =	shalt  }
0x82: {  	_ =	shalt  }
0x83: {  	_ =	shalt  }
0x84: {  	_ =	shalt  }
0x85: {  	_ =	shalt  }
0x86: {  	_ =	shalt  }
0x87: {  	_ =	shalt  }
.Lfunc_end0:
.L_simem_size_0:
called_computation_lowered:
.L_overlay_start_0:
0x88: {  	s2 =	sld [smem:$0x3FD9]  }
0x89: {  	s3 =	sld [smem:$0x3FFE];
	_ =	sdelay $0x1  }
0x8a: {  	s1 =	srdreg.scid  }
0x8b: {  	s0 =	sand.u32 $0x1, s1  }
0x8c: {  	s17 =	sshll.u32 s0, $0xA;
	s2 =	sadd.s32 s3, s2  }
0x8d: {  	s2 =	sadd.s32 s2, s17  }
0x8e: {  	[smem:$0x3FC0] =	sst s2  }
0x8f: {  	_ = 	snop  }
0x90: {  	s2 =	sld [smem:$0x3FD0];
	(tm) =	ssettm $0x1  }
0x91: {  	s18 =	sld [smem:$0x3FFB];
	_ =	sdelay $0x3  }
0x92: {  	_ =	strace s18  }
0x93: {  	s3 =	sld [smem:$0x3FFC];
	_ =	sdelay $0x3  }
0x94: {  	_ =	strace s3  }
0x95: {  	s3 =	sld [smem:$0x3FFD];
	_ =	sdelay $0x3  }
0x96: {  	_ =	strace s3  }
0x97: {  	_ =	strace $0x8FFFFFFF  }
0x98: {  	s19 =	sld [smem:$0x3FDB];
	_ =	sdelay $0x1  }
0x99: {  	s4 =	simm.s32 $_scs_section_size  }
0x9a: {  	s5 =	simm.s32 $_size__tile_overlayer_lowered;
	s6 =	simm.s32 $_tile_overlayer_lowered  }
0x9b: {  	s22 =	simm.s32 $0x1BFF;
	s21 =	sshll.u32 s6, $0x1;
	s3 =	sadd.s32 s4, s19  }
0x9c: {  	s7 =	simm.s32 $0x0;
	s20 =	sshll.u32 s5, $0x1;
	s5 =	sadd.s32 s21, s3  }
0x9d: {  	[timem:s7], [sflag:s22] =	dma.local [hbm:s5], s20  }
0x9e: {  	_ =	swait.ge [sflag:s22], s20  }
0x9f: {  	s4 =	ssub.s32 $0x0, s20;
	[sflag:s22] =	ssyncset.done $0x0  }
0xa0: {  	[sflag:s22] =	ssyncadd.s32 s4;
	_ =	sdelay $0x1  }
0xa1: {  	s23 =	simm.s32 $0x1B8B  }
0xa2: {  	_ =	swait.ge [sflag:s23], $0x1  }
0xa3: {  	[sflag:s23] =	ssyncset.done $0x0  }
0xa4: {  	s25 =	simm.s32 $0x1B8E;
	s24 =	sld [smem:$0x3FFE];
	[sflag:s23] =	ssyncadd.s32 $0xFFFFFFFF  }
0xa5: {  	s26 =	simm.s32 $execute0_lowered;
	[smem:$0x3FD2] =	sst s25  }
0xa6: {  	s5 =	sshll.u32 s26, $0x1;
	_ =	strace $0x80000046;
	[dreg:$0x1] =	wrdreg $0xFFFFFFFF  }
0xa7: {  	s28 =	simm.s32 $_size_execute0_lowered;
	s3 =	sadd.s32 s3, s5;
	[dreg:$0x0] =	wrdreg $0x0  }
0xa8: {  	s5 =	sshll.u32 s28, $0x1;
	[dreg:$0x2] =	wrdreg s3  }
0xa9: {  	[dreg:$0x3] =	wrdreg s5  }
0xaa: {  	[dreg:$0x4] =	wrdreg $0xC0  }
0xab: {  	_ =	task [dreg:s7], $0x5FFFF  }
0xac: {  	[dreg:$0x1] =	wrdreg $0xFFFFFFFF  }
0xad: {  	[dreg:$0x0] =	wrdreg $0x60  }
0xae: {  	[dreg:$0x2] =	wrdreg s2  }
0xaf: {  	[dreg:$0x3] =	wrdreg s24  }
0xb0: {  	[dreg:$0x4] =	wrdreg $0x9  }
0xb1: {  	_ =	task.clear_ibuf [dreg:s7], $0x5FFFF;
	_ =	strace $0x90000046  }
0xb2: {  	s29 =	simm.s32 $0x9;
	_ =	strace $0x80000048  }
0xb3: {  	_ =	swait.ge [sflag:s29], $0x1  }
0xb4: {  	[sflag:s29] =	ssyncadd.s32 $0xFFFFFFFF  }
0xb5: {  	_ =	strace $0x90000048  }
0xb6: {  	_ =	sfence  }
0xb7: {  	s30 =	sld [smem:$0x0];
	_ =	sdelay $0x2  }
0xb8: {  	s31 =	sshll.u32 s1, $0xD;
	s1 =	sshrl.u32 s1, $0x2  }
0xb9: {  	s3 =	sand.u32 $0x4000, s31;
	s1 =	sadd.s32 s1, s30  }
0xba: {  	s0 =	sor.u32 s3, s0;
	s1 =	sshll.u32 s1, $0x11  }
0xbb: {  	s0 =	sor.u32 s1, s0  }
0xbc: {  	s0 =	sadd.s32 $0x8F2B, s0  }
0xbd: {  	[sflag:s0] =	ssyncadd.remote.s32 $0x1  }
0xbe: {  	_ =	sfence.sel $0xFFFF  }
0xbf: {  	[dreg:$0x0] =	wrdreg $0xFFFFFFFF;
	(pc) =	sbr.abs _section_cstart, $3  }
0xc0: {  	[dreg:$0x1] =	wrdreg $0xFFFFFFFF  }
0xc1: {  	_ =	task.clear_ibuf [dreg:s7], $0x2FFFF;
	_ =	strace $0x9FFFFFFF  }
0xc2: {  	(tm) =	ssettm $0x7FFFFFFF  }
0xc3: {  	_ =	shalt  }
tec
execute0_lowered:
.L_overlay_start_1:
0x0: {  	(tag) =	ssettag $0x1  }
0x1: {  	s1 =	srdreg.scid  }
0x2: {  	s0 =	stileid.u32;
	s24 =	sand.u32 $0x1, s1  }
0x3: {  	s2 =	rddreg [dreg:$0x0];
	s30 =	sshll.u32 s0, $0xB;
	s3 =	sshll.u32 s24, $0xA  }
0x4: {  	s10 =	rddreg [dreg:$0x1];
	s11 =	sor.u32 s3, s30  }
0x5: {  	s1 =	rddreg [dreg:$0x2];
	s3 =	simm.s32 $0x0;
	s4 =	sshrl.u32 s11, $0x3  }
0x6: {  	[smem:$0x7FF] =	sst s3;
	s4 =	sadd.s32 s4, s10  }
0x7: {  	_ =	strace $0x80000047;
	s5 =	sadd.s32 $0x2400, s4;
	s4 =	simm.s32 $0x3  }
0x8: {  	[tilespmem:s3], [sflag:$0x3] =	stream.linear.gather [hbm4b:s5+s3], $0x400, $0x38;
	[tilespmem:$0x8400] =	vst v63  }
0x9: {  	_ =	swait.ge [sflag:s4], $0x400  }
0xa: {  	[sflag:s4] =	ssyncset.done $0x0  }
0xb: {  	s6 =	simm.s32 $0x80;
	s7 =	simm.s32 $0x400;
	[sflag:s4] =	ssyncadd.s32 $0xFFFFFC00  }
0xc: {  	[tilespmem:s7], [sflag:$0x1] =	stream.indirect.gather [hbm4b:s2+s6], $0x80, s3, s6, $0xb8;
	[tilespmem:$0x8400] =	vst v63  }
0xd: {  	s8 =	simm.s32 $0x4400;
	s9 =	simm.s32 $0x1  }
0xe: {  	[tilespmem:s8], [sflag:$0x2] =	stream.indirect.gather [hbm4b:s2+s6], $0x80, s6, s6, $0xb8;
	[tilespmem:$0x8400] =	vst v63  }
0xf: {  	s11 =	sshll.u32 s11, $0x4;
	_ =	swait.ge [sflag:s9], $0x4000  }
0x10: {  	s25 =	sadd.s32 s11, s10;
	[sflag:s9] =	ssyncset.done $0x0  }
0x11: {  	s10 =	sadd.s32 $0x3400, s25;
	[sflag:s9] =	ssyncadd.s32 $0xFFFFC000  }
0x12: {  	[hbm4b:s10+s3] =	stream.linear.scatter [tilespmem:s7], [sflag:$0x3], $0x4000, $0x38;
	[tilespmem:$0x8400] =	vst v63  }
0x13: {  	_ =	swait.ge [sflag:s4], $0x4000  }
0x14: {  	[sflag:s4] =	ssyncset.done $0x0  }
0x15: {  	s12 =	simm.s32 $0x2;
	s11 =	simm.s32 $0x100;
	[sflag:s4] =	ssyncadd.s32 $0xFFFFC000  }
0x16: {  	[tilespmem:s7], [sflag:$0x1] =	stream.indirect.gather [hbm4b:s2+s6], $0x80, s11, s6, $0xb8;
	[tilespmem:$0x8400] =	vst v63  }
0x17: {  	_ =	swait.ge [sflag:s12], $0x4000  }
0x18: {  	[sflag:s12] =	ssyncset.done $0x0  }
0x19: {  	s13 =	sadd.s32 $0x3C00, s25;
	[sflag:s12] =	ssyncadd.s32 $0xFFFFC000  }
0x1a: {  	[hbm4b:s13+s3] =	stream.linear.scatter [tilespmem:s8], [sflag:$0x3], $0x4000, $0x38;
	[tilespmem:$0x8400] =	vst v63  }
0x1b: {  	_ =	swait.ge [sflag:s4], $0x4000  }
0x1c: {  	[sflag:s4] =	ssyncset.done $0x0  }
0x1d: {  	s14 =	simm.s32 $0x180;
	[sflag:s4] =	ssyncadd.s32 $0xFFFFC000  }
0x1e: {  	[tilespmem:s8], [sflag:$0x2] =	stream.indirect.gather [hbm4b:s2+s6], $0x80, s14, s6, $0xb8;
	[tilespmem:$0x8400] =	vst v63  }
0x1f: {  	_ =	swait.ge [sflag:s9], $0x4000  }
0x20: {  	[sflag:s9] =	ssyncset.done $0x0  }
0x21: {  	s15 =	sadd.s32 $0x4400, s25;
	[sflag:s9] =	ssyncadd.s32 $0xFFFFC000  }
0x22: {  	[hbm4b:s15+s3] =	stream.linear.scatter [tilespmem:s7], [sflag:$0x3], $0x4000, $0x38;
	[tilespmem:$0x8400] =	vst v63  }
0x23: {  	_ =	swait.ge [sflag:s4], $0x4000  }
0x24: {  	[sflag:s4] =	ssyncset.done $0x0  }
0x25: {  	s16 =	simm.s32 $0x200;
	[sflag:s4] =	ssyncadd.s32 $0xFFFFC000  }
0x26: {  	[tilespmem:s7], [sflag:$0x1] =	stream.indirect.gather [hbm4b:s2+s6], $0x80, s16, s6, $0xb8;
	[tilespmem:$0x8400] =	vst v63  }
0x27: {  	_ =	swait.ge [sflag:s12], $0x4000  }
0x28: {  	[sflag:s12] =	ssyncset.done $0x0  }
0x29: {  	s17 =	sadd.s32 $0x4C00, s25;
	[sflag:s12] =	ssyncadd.s32 $0xFFFFC000  }
0x2a: {  	[hbm4b:s17+s3] =	stream.linear.scatter [tilespmem:s8], [sflag:$0x3], $0x4000, $0x38;
	[tilespmem:$0x8400] =	vst v63  }
0x2b: {  	_ =	swait.ge [sflag:s4], $0x4000  }
0x2c: {  	[sflag:s4] =	ssyncset.done $0x0  }
0x2d: {  	s18 =	simm.s32 $0x280;
	[sflag:s4] =	ssyncadd.s32 $0xFFFFC000  }
0x2e: {  	[tilespmem:s8], [sflag:$0x2] =	stream.indirect.gather [hbm4b:s2+s6], $0x80, s18, s6, $0xb8;
	[tilespmem:$0x8400] =	vst v63  }
0x2f: {  	_ =	swait.ge [sflag:s9], $0x4000  }
0x30: {  	[sflag:s9] =	ssyncset.done $0x0  }
0x31: {  	s19 =	sadd.s32 $0x5400, s25;
	[sflag:s9] =	ssyncadd.s32 $0xFFFFC000  }
0x32: {  	[hbm4b:s19+s3] =	stream.linear.scatter [tilespmem:s7], [sflag:$0x3], $0x4000, $0x38;
	[tilespmem:$0x8400] =	vst v63  }
0x33: {  	_ =	swait.ge [sflag:s4], $0x4000  }
0x34: {  	[sflag:s4] =	ssyncset.done $0x0  }
0x35: {  	s20 =	simm.s32 $0x300;
	[sflag:s4] =	ssyncadd.s32 $0xFFFFC000  }
0x36: {  	[tilespmem:s7], [sflag:$0x1] =	stream.indirect.gather [hbm4b:s2+s6], $0x80, s20, s6, $0xb8;
	[tilespmem:$0x8400] =	vst v63  }
0x37: {  	_ =	swait.ge [sflag:s12], $0x4000  }
0x38: {  	[sflag:s12] =	ssyncset.done $0x0  }
0x39: {  	s21 =	sadd.s32 $0x5C00, s25;
	[sflag:s12] =	ssyncadd.s32 $0xFFFFC000  }
0x3a: {  	[hbm4b:s21+s3] =	stream.linear.scatter [tilespmem:s8], [sflag:$0x3], $0x4000, $0x38;
	[tilespmem:$0x8400] =	vst v63  }
0x3b: {  	_ =	swait.ge [sflag:s4], $0x4000  }
0x3c: {  	[sflag:s4] =	ssyncset.done $0x0  }
0x3d: {  	s22 =	simm.s32 $0x380;
	[sflag:s4] =	ssyncadd.s32 $0xFFFFC000  }
0x3e: {  	[tilespmem:s8], [sflag:$0x2] =	stream.indirect.gather [hbm4b:s2+s6], $0x80, s22, s6, $0xb8;
	[tilespmem:$0x8400] =	vst v63  }
0x3f: {  	_ =	swait.ge [sflag:s9], $0x4000  }
0x40: {  	[sflag:s9] =	ssyncset.done $0x0  }
0x41: {  	s24 =	ssub.s32 $0x2, s24;
	s23 =	sadd.s32 $0x6400, s25;
	[sflag:s9] =	ssyncadd.s32 $0xFFFFC000  }
0x42: {  	[hbm4b:s23+s3] =	stream.linear.scatter [tilespmem:s7], [sflag:$0x3], $0x4000, $0x38;
	[tilespmem:$0x8400] =	vst v63  }
0x43: {  	s26 =	sshrl.u32 s24, $0x1;
	_ =	swait.ge [sflag:s4], $0x4000  }
0x44: {  	s26 =	ssub.s32 s24, s26;
	[sflag:s4] =	ssyncset.done $0x0  }
0x45: {  	s31 =	smax.u32 s26, $0x1;
	[sflag:s4] =	ssyncadd.s32 $0xFFFFC000  }
0x46: {  	p0 =	sne.s32 s31, $0x1;
	_ =	swait.ge [sflag:s12], $0x4000  }
.Ltmp0:
0x47: {  	[sflag:s12] =	ssyncset.done $0x0;
	(pc) =	sbr.rel @!p0 .LBB2_2-.Ltmp0, $4  }
0x48: {  	s24 =	sadd.s32 $0x6C00, s25;
	[sflag:s12] =	ssyncadd.s32 $0xFFFFC000  }
0x49: {  	[hbm4b:s24+s3] =	stream.linear.scatter [tilespmem:s8], [sflag:$0x3], $0x4000, $0x38;
	[tilespmem:$0x8400] =	vst v63  }
0x4a: {  	_ =	swait.ge [sflag:s4], $0x4000  }
0x4b: {  	s25 =	sadd.s32 $0xFFFFFFFF, s31;
	[sflag:s4] =	ssyncset.done $0x0  }
.LBB2_1:
0x4c: {  	p0 =	sne.s32 s25, $0x1;
	s25 =	sadd.s32 $0xFFFFFFFF, s25;
	[sflag:s4] =	ssyncadd.s32 $0xFFFFC000  }
0x4d: {  	[tilespmem:s3], [sflag:$0x3] =	stream.linear.gather [hbm4b:s5+s3], $0x400, $0x38;
	[tilespmem:$0x8400] =	vst v63  }
0x4e: {  	_ =	swait.ge [sflag:s4], $0x400  }
0x4f: {  	[sflag:s4] =	ssyncset.done $0x0  }
0x50: {  	[sflag:s4] =	ssyncadd.s32 $0xFFFFFC00  }
0x51: {  	[tilespmem:s7], [sflag:$0x1] =	stream.indirect.gather [hbm4b:s2+s6], $0x80, s3, s6, $0xb8;
	[tilespmem:$0x8400] =	vst v63  }
0x52: {  	_ = 	snop  }
0x53: {  	[tilespmem:s8], [sflag:$0x2] =	stream.indirect.gather [hbm4b:s2+s6], $0x80, s6, s6, $0xb8;
	[tilespmem:$0x8400] =	vst v63  }
0x54: {  	_ =	swait.ge [sflag:s9], $0x4000  }
0x55: {  	[sflag:s9] =	ssyncset.done $0x0  }
0x56: {  	[sflag:s9] =	ssyncadd.s32 $0xFFFFC000  }
0x57: {  	[hbm4b:s10+s3] =	stream.linear.scatter [tilespmem:s7], [sflag:$0x3], $0x4000, $0x38;
	[tilespmem:$0x8400] =	vst v63  }
0x58: {  	_ =	swait.ge [sflag:s4], $0x4000  }
0x59: {  	[sflag:s4] =	ssyncset.done $0x0  }
0x5a: {  	[sflag:s4] =	ssyncadd.s32 $0xFFFFC000  }
0x5b: {  	[tilespmem:s7], [sflag:$0x1] =	stream.indirect.gather [hbm4b:s2+s6], $0x80, s11, s6, $0xb8;
	[tilespmem:$0x8400] =	vst v63  }
0x5c: {  	_ =	swait.ge [sflag:s12], $0x4000  }
0x5d: {  	[sflag:s12] =	ssyncset.done $0x0  }
0x5e: {  	[sflag:s12] =	ssyncadd.s32 $0xFFFFC000  }
0x5f: {  	[hbm4b:s13+s3] =	stream.linear.scatter [tilespmem:s8], [sflag:$0x3], $0x4000, $0x38;
	[tilespmem:$0x8400] =	vst v63  }
0x60: {  	_ =	swait.ge [sflag:s4], $0x4000  }
0x61: {  	[sflag:s4] =	ssyncset.done $0x0  }
0x62: {  	[sflag:s4] =	ssyncadd.s32 $0xFFFFC000  }
0x63: {  	[tilespmem:s8], [sflag:$0x2] =	stream.indirect.gather [hbm4b:s2+s6], $0x80, s14, s6, $0xb8;
	[tilespmem:$0x8400] =	vst v63  }
0x64: {  	_ =	swait.ge [sflag:s9], $0x4000  }
0x65: {  	[sflag:s9] =	ssyncset.done $0x0  }
0x66: {  	[sflag:s9] =	ssyncadd.s32 $0xFFFFC000  }
0x67: {  	[hbm4b:s15+s3] =	stream.linear.scatter [tilespmem:s7], [sflag:$0x3], $0x4000, $0x38;
	[tilespmem:$0x8400] =	vst v63  }
0x68: {  	_ =	swait.ge [sflag:s4], $0x4000  }
0x69: {  	[sflag:s4] =	ssyncset.done $0x0  }
0x6a: {  	[sflag:s4] =	ssyncadd.s32 $0xFFFFC000  }
0x6b: {  	[tilespmem:s7], [sflag:$0x1] =	stream.indirect.gather [hbm4b:s2+s6], $0x80, s16, s6, $0xb8;
	[tilespmem:$0x8400] =	vst v63  }
0x6c: {  	_ =	swait.ge [sflag:s12], $0x4000  }
0x6d: {  	[sflag:s12] =	ssyncset.done $0x0  }
0x6e: {  	[sflag:s12] =	ssyncadd.s32 $0xFFFFC000  }
0x6f: {  	[hbm4b:s17+s3] =	stream.linear.scatter [tilespmem:s8], [sflag:$0x3], $0x4000, $0x38;
	[tilespmem:$0x8400] =	vst v63  }
0x70: {  	_ =	swait.ge [sflag:s4], $0x4000  }
0x71: {  	[sflag:s4] =	ssyncset.done $0x0  }
0x72: {  	[sflag:s4] =	ssyncadd.s32 $0xFFFFC000  }
0x73: {  	[tilespmem:s8], [sflag:$0x2] =	stream.indirect.gather [hbm4b:s2+s6], $0x80, s18, s6, $0xb8;
	[tilespmem:$0x8400] =	vst v63  }
0x74: {  	_ =	swait.ge [sflag:s9], $0x4000  }
0x75: {  	[sflag:s9] =	ssyncset.done $0x0  }
0x76: {  	[sflag:s9] =	ssyncadd.s32 $0xFFFFC000  }
0x77: {  	[hbm4b:s19+s3] =	stream.linear.scatter [tilespmem:s7], [sflag:$0x3], $0x4000, $0x38;
	[tilespmem:$0x8400] =	vst v63  }
0x78: {  	_ =	swait.ge [sflag:s4], $0x4000  }
0x79: {  	[sflag:s4] =	ssyncset.done $0x0  }
0x7a: {  	[sflag:s4] =	ssyncadd.s32 $0xFFFFC000  }
0x7b: {  	[tilespmem:s7], [sflag:$0x1] =	stream.indirect.gather [hbm4b:s2+s6], $0x80, s20, s6, $0xb8;
	[tilespmem:$0x8400] =	vst v63  }
0x7c: {  	_ =	swait.ge [sflag:s12], $0x4000  }
0x7d: {  	[sflag:s12] =	ssyncset.done $0x0  }
0x7e: {  	[sflag:s12] =	ssyncadd.s32 $0xFFFFC000  }
0x7f: {  	[hbm4b:s21+s3] =	stream.linear.scatter [tilespmem:s8], [sflag:$0x3], $0x4000, $0x38;
	[tilespmem:$0x8400] =	vst v63  }
0x80: {  	_ =	swait.ge [sflag:s4], $0x4000  }
0x81: {  	[sflag:s4] =	ssyncset.done $0x0  }
0x82: {  	[sflag:s4] =	ssyncadd.s32 $0xFFFFC000  }
0x83: {  	[tilespmem:s8], [sflag:$0x2] =	stream.indirect.gather [hbm4b:s2+s6], $0x80, s22, s6, $0xb8;
	[tilespmem:$0x8400] =	vst v63  }
0x84: {  	_ =	swait.ge [sflag:s9], $0x4000  }
0x85: {  	[sflag:s9] =	ssyncset.done $0x0  }
0x86: {  	[sflag:s9] =	ssyncadd.s32 $0xFFFFC000  }
0x87: {  	[hbm4b:s23+s3] =	stream.linear.scatter [tilespmem:s7], [sflag:$0x3], $0x4000, $0x38;
	[tilespmem:$0x8400] =	vst v63  }
0x88: {  	_ =	swait.ge [sflag:s4], $0x4000  }
0x89: {  	[sflag:s4] =	ssyncset.done $0x0  }
0x8a: {  	[sflag:s4] =	ssyncadd.s32 $0xFFFFC000  }
0x8b: {  	_ =	swait.ge [sflag:s12], $0x4000  }
.Ltmp1:
0x8c: {  	[sflag:s12] =	ssyncset.done $0x0;
	(pc) =	sbr.rel @p0 .LBB2_1-.Ltmp1, $4  }
0x8d: {  	[sflag:s12] =	ssyncadd.s32 $0xFFFFC000  }
0x8e: {  	[hbm4b:s24+s3] =	stream.linear.scatter [tilespmem:s8], [sflag:$0x3], $0x4000, $0x38;
	[tilespmem:$0x8400] =	vst v63  }
0x8f: {  	_ =	swait.ge [sflag:s4], $0x4000  }
0x90: {  	[sflag:s4] =	ssyncset.done $0x0  }
.LBB2_2:
0x91: {  	[sflag:s4] =	ssyncadd.s32 $0xFFFFC000  }
0x92: {  	_ =	sfence.sel $0x180000  }
0x93: {  	[bflag:$0x0] =	sbarrier.arrive $0xFFFF  }
0x94: {  	p0 =	sne.s32 s0, $0x0;
	_ =	strace $0x90000047  }
0x95: {  	s0 =	sadd.s32 @!p0 $0x100000, s1;
	[bflag:$0x2] =	sbarrier.arrive $0xFFFF  }
0x96: {  	[sflag:s0] =	ssyncadd.tile.s32 @!p0 $0x1;
	_ =	shalt  }
.Lfunc_end2:
_tile_overlayer_lowered:
.L_overlay_start_2:
0x97: {  	(tag) =	ssettag $0x2  }
0x98: {  	s0 =	rddreg [dreg:$0x0];
	s2 =	stileid.u32  }
0x99: {  	s1 =	rddreg [dreg:$0x1];
	p0 =	sne.s32 s2, $0x0  }
0x9a: {  	s3 =	rddreg [dreg:$0x2];
	[bflag:$0x3] =	sbarrier.arrive $0xFFFF;
	s2 =	simm.s32 @!p0 $0x1C03  }
0x9b: {  	[timem:s3], [sflag:s2] =	dma.local @!p0 [hbm:s0], s1  }
0x9c: {  	s0 =	simm.s32 @!p0 $0x3  }
0x9d: {  	_ =	swait.ge @!p0 [sflag:s0], s1  }
0x9e: {  	s1 =	ssub.s32 @!p0 $0x0, s1;
	[sflag:s0] =	ssyncset.done @!p0 $0x0  }
0x9f: {  	[sflag:s0] =	ssyncadd.s32 @!p0 s1  }
0xa0: {  	[bflag:$0x3] =	sbarrier.arrive $0xFFFF  }
0xa1: {  	_ =	shalt  }

</sc_bundles>
